<compile_context>
chip_gen: v7x
topology: tpu7x:2x2x1
jax: 0.10.2.dev20260603
libtpu: 0.0.44.dev20260713+nightly
codegen_flags: <defaults>
</compile_context>

<pallas_src>
import functools

import jax
import jax.numpy as jnp
from jax import lax
from jax.experimental import pallas as pl
from jax.experimental.pallas import tpu as pltpu
from jax.experimental.pallas import tpu_sc as plsc

N = 4096
K = 32
RB = 256
NB = N // RB
DPAD = 16


def _topk_block(s_ref, sT_ref, idx_ref, i):
    qx = s_ref[:, 0:1]
    qy = s_ref[:, 1:2]
    px = sT_ref[0:1, pl.ds(i * RB, RB)]
    py = sT_ref[1:2, pl.ds(i * RB, RB)]
    dx = qx - px
    dy = qy - py
    d = jnp.sqrt((dx * dx + 1e-6) + (dy * dy + 1e-6))
    sub = lax.broadcasted_iota(jnp.int32, (N, RB), 0)
    inf = jnp.float32(float("inf"))
    for t in range(K):
        sel = jnp.argmin(d, axis=0).astype(jnp.int32)[None, :]
        idx_ref[pl.ds(t, 1), :] = sel
        d = jnp.where(sub == sel, inf, d)


def _topk(s, sT, half):
    def body(s_ref, sT_ref, idx_ref):
        _topk_block(s_ref, sT_ref, idx_ref,
                    pl.program_id(0) + half * (NB // 2))
    out = pl.pallas_call(
        body,
        grid=(NB // 2,),
        in_specs=[
            pl.BlockSpec((N, 4), lambda i: (0, 0)),
            pl.BlockSpec((4, N), lambda i: (0, 0)),
        ],
        out_specs=pl.BlockSpec((K, RB), lambda i: (i, 0)),
        out_shape=jax.ShapeDtypeStruct((NB // 2 * K, RB), jnp.int32),
    )(s, sT)
    return out.reshape(NB // 2, K, RB).transpose(0, 2, 1).reshape(N // 2, K)


def _sc_gather(idx_flat, sT_flat, half):
    info = plsc.get_sparse_core_info()
    nc, ns = info.num_cores, info.num_subcores
    nw = nc * ns
    b = idx_flat.shape[0]
    bpw = b // nw
    nchunk = bpw // 16
    mesh = plsc.VectorSubcoreMesh(core_axis_name="c", subcore_axis_name="s")

    @functools.partial(
        pl.kernel, mesh=mesh,
        out_type=jax.ShapeDtypeStruct((b * DPAD,), jnp.float32),
        scratch_types=[
            pltpu.VMEM((4 * N,), jnp.float32),
            pltpu.VMEM((bpw,), jnp.int32),
            pltpu.VMEM((bpw * DPAD,), jnp.float32),
        ],
        compiler_params=pltpu.CompilerParams(needs_layout_passes=False),
    )
    def k(sT_hbm, idx_hbm, out_hbm, tab_v, idx_v, out_v):
        wid = lax.axis_index("s") * nc + lax.axis_index("c")
        base = wid * bpw
        pltpu.sync_copy(sT_hbm, tab_v)
        pltpu.sync_copy(idx_hbm.at[pl.ds(base, bpw)], idx_v)
        lanes = lax.broadcasted_iota(jnp.int32, (16,), 0)
        zeros = jnp.zeros((16,), jnp.float32)
        ones = zeros + 1.0

        def chunk(q, carry):
            cb = q * 16
            row = (half * b + base + cb) >> 5
            rowv = lanes * 0 + row
            idxv = idx_v[pl.ds(cb, 16)]
            pvec = (cb + lanes) * DPAD
            rel = []
            for c in range(4):
                sj = plsc.load_gather(tab_v, [idxv + c * N])
                si = plsc.load_gather(tab_v, [rowv + c * N])
                r = si - sj
                rel.append(r)
                plsc.store_scatter(out_v, [pvec + c], r)
            eye = jnp.where(idxv == rowv, ones, zeros)
            plsc.store_scatter(out_v, [pvec + 4], eye)
            msq = rel[0] * rel[0] + rel[1] * rel[1]
            mrad = jnp.where(msq < 1.0, ones, zeros)
            plsc.store_scatter(out_v, [pvec + 5], mrad)
            return carry

        lax.fori_loop(0, nchunk, chunk, 0)
        pltpu.sync_copy(out_v, out_hbm.at[pl.ds(base * DPAD, bpw * DPAD)])

    return k(sT_flat, idx_flat)


def _mlp_body(half, gath_ref, idx_ref, s_ref, g_ref,
              w1t_ref, b1_ref, w2t_ref, b2_ref,
              wf1t_ref, bf1_ref, wf2t_ref, bf2_ref,
              wf3t_ref, bf3_ref, wf4t_ref, bf4_ref, out_ref):
    del half, idx_ref
    s_blk = s_ref[...]
    g_blk = g_ref[...]
    gath = gath_ref[...].reshape(RB, K, DPAD)
    mask = gath[:, :, 5]
    x2 = gath[:, :, 0:5].reshape(RB * K, 5)
    h1 = jax.nn.relu(jnp.dot(x2, w1t_ref[...],
                             preferred_element_type=jnp.float32) + b1_ref[...])
    h2 = jax.nn.relu(jnp.dot(h1, w2t_ref[...],
                             preferred_element_type=jnp.float32) + b2_ref[...])
    hm = jnp.max(h2.reshape(RB, K, 128) * mask[:, :, None], axis=1)

    sg = s_blk[:, 0:2] - g_blk
    sv = s_blk[:, 2:4]
    feat = jnp.concatenate([hm, sg, sv], axis=1)
    f = jax.nn.relu(jnp.dot(feat, wf1t_ref[...],
                            preferred_element_type=jnp.float32) + bf1_ref[...])
    f = jax.nn.relu(jnp.dot(f, wf2t_ref[...],
                            preferred_element_type=jnp.float32) + bf2_ref[...])
    f = jax.nn.relu(jnp.dot(f, wf3t_ref[...],
                            preferred_element_type=jnp.float32) + bf3_ref[...])
    f = jnp.dot(f, wf4t_ref[...],
                preferred_element_type=jnp.float32) + bf4_ref[...]
    kk = 2.0 * jax.nn.sigmoid(f) + 0.2
    ax = -(kk[:, 0:1] * sg[:, 0:1] + kk[:, 1:2] * sv[:, 0:1])
    ay = -(kk[:, 2:3] * sg[:, 1:2] + kk[:, 3:4] * sv[:, 1:2])
    out_ref[...] = jnp.concatenate([ax, ay], axis=1)


def _mlp(half, gath, idx, s, g, *wb):
    full = lambda shape: pl.BlockSpec(shape, lambda i: tuple(0 for _ in shape))
    wb_specs = [full(w.shape) for w in wb]
    hb = NB // 2
    return pl.pallas_call(
        functools.partial(_mlp_body, half),
        grid=(hb,),
        in_specs=[
            pl.BlockSpec((RB * K, DPAD), lambda i: (i, 0)),
            pl.BlockSpec((RB, K), lambda i: (i, 0)),
            pl.BlockSpec((RB, 4), lambda i, h=half: (i + h * hb, 0)),
            pl.BlockSpec((RB, 2), lambda i, h=half: (i + h * hb, 0)),
        ] + wb_specs,
        out_specs=pl.BlockSpec((RB, 2), lambda i: (i, 0)),
        out_shape=jax.ShapeDtypeStruct((N // 2, 2), jnp.float32),
    )(gath, idx, s, g, *wb)


def kernel(s, g, W1, b1, W2, b2, Wf1, bf1, Wf2, bf2, Wf3, bf3, Wf4, bf4):
    sT = s.T
    sT_flat = sT.reshape(-1)
    wb = (W1.T, b1[None, :], W2.T, b2[None, :],
          Wf1.T, bf1[None, :], Wf2.T, bf2[None, :],
          Wf3.T, bf3[None, :], Wf4.T, bf4[None, :])
    idx0 = _topk(s, sT, 0)
    gath0 = _sc_gather(idx0.reshape(-1), sT_flat, 0).reshape(N * K // 2, DPAD)
    idx1 = _topk(s, sT, 1)
    gath1 = _sc_gather(idx1.reshape(-1), sT_flat, 1).reshape(N * K // 2, DPAD)
    a0 = _mlp(0, gath0, idx0, s, g, *wb)
    a1 = _mlp(1, gath1, idx1, s, g, *wb)
    return jnp.concatenate([a0, a1], axis=0)

# --- scband reference (transcript-rebuilt; emitter-appended) ---
"""Pipeline reference for scband-network-action-86131274154569 (READ-ONLY COPY).

The authoritative reference and input builder live on the scoring server;
editing this copy changes nothing except your own understanding.
"""

import jax, jax.numpy as jnp
import numpy as np

N = 4096
TOP_K = 32
OBS_RADIUS = 1.0


def _glorot(k, shape):
    return jax.random.normal(k, shape, dtype=jnp.float32) / np.sqrt(shape[-1])


def setup_inputs(seed: int = 0) -> dict:
    key = jax.random.key(seed)
    ks = jax.random.split(key, 12)
    s = jax.random.normal(ks[0], (N, 4), dtype=jnp.float32)
    g = jax.random.normal(ks[1], (N, 2), dtype=jnp.float32)
    W1 = _glorot(ks[2], (64, 5)); b1 = jnp.zeros((64,), dtype=jnp.float32)
    W2 = _glorot(ks[3], (128, 64)); b2 = jnp.zeros((128,), dtype=jnp.float32)
    Wf1 = _glorot(ks[4], (64, 132)); bf1 = jnp.zeros((64,), dtype=jnp.float32)
    Wf2 = _glorot(ks[5], (128, 64)); bf2 = jnp.zeros((128,), dtype=jnp.float32)
    Wf3 = _glorot(ks[6], (64, 128)); bf3 = jnp.zeros((64,), dtype=jnp.float32)
    Wf4 = _glorot(ks[7], (4, 64)); bf4 = jnp.zeros((4,), dtype=jnp.float32)
    return {"s": s, "g": g, "W1": W1, "b1": b1, "W2": W2, "b2": b2,
            "Wf1": Wf1, "bf1": bf1, "Wf2": Wf2, "bf2": bf2,
            "Wf3": Wf3, "bf3": bf3, "Wf4": Wf4, "bf4": bf4}


def reference(s, g, W1, b1, W2, b2, Wf1, bf1, Wf2, bf2, Wf3, bf3, Wf4, bf4):
    n = s.shape[0]
    # all-pairs relative states [n, n, 4], plus self-indicator channel -> [n, n, 5]
    x = s[:, None, :] - s[None, :, :]
    eye = jnp.eye(n, dtype=jnp.float32)[:, :, None]
    x = jnp.concatenate([x, eye], axis=2)
    # remove_distant_agents: top-k nearest by planar distance
    d_norm = jnp.sqrt(jnp.sum(x[:, :, :2] ** 2 + 1e-6, axis=2))
    _, idx = jax.lax.top_k(-d_norm, TOP_K)  # [n, K]
    x = jnp.take_along_axis(x, idx[:, :, None], axis=1)  # [n, K, 5]
    # observation-radius mask
    dist = jnp.linalg.norm(x[:, :, :2], axis=2, keepdims=True)  # [n, K, 1]
    mask = (dist < OBS_RADIUS).astype(jnp.float32)
    # conv1d kernel_size=1 == pointwise linear over channel dim
    h = jax.nn.relu(jnp.einsum('nkc,oc->nko', x, W1) + b1)   # [n, K, 64]
    h = jax.nn.relu(jnp.einsum('nkc,oc->nko', h, W2) + b2)   # [n, K, 128]
    h = jnp.max(h * mask, axis=1)                            # [n, 128]
    feat = jnp.concatenate([h, s[:, :2] - g, s[:, 2:]], axis=1)  # [n, 132]
    h = jax.nn.relu(feat @ Wf1.T + bf1)
    h = jax.nn.relu(h @ Wf2.T + bf2)
    h = jax.nn.relu(h @ Wf3.T + bf3)
    h = h @ Wf4.T + bf4
    k = 2.0 * jax.nn.sigmoid(h) + 0.2
    k1, k2, k3, k4 = jnp.split(k, 4, axis=1)
    zeros = jnp.zeros_like(k1)
    gain_x = -jnp.concatenate([k1, zeros, k2, zeros], axis=1)
    gain_y = -jnp.concatenate([zeros, k3, zeros, k4], axis=1)
    state = jnp.concatenate([s[:, :2] - g, s[:, 2:]], axis=1)
    a_x = jnp.sum(state * gain_x, axis=1, keepdims=True)
    a_y = jnp.sum(state * gain_y, axis=1, keepdims=True)
    a = jnp.concatenate([a_x, a_y], axis=1)
    return a

if __name__ == "__main__":
    import jax
    _d = setup_inputs()
    print(jax.jit(kernel)(*tuple(_d.values())))

</pallas_src>

<mosaic_0001>
#map = affine_map<(d0, d1) -> (0)>
module attributes {stable_mosaic.version = 14 : i64} {
  func.func @k(%arg0: i32, %arg1: i32, %arg2: memref<16384xf32, #tpu.memory_space<hbm>>, %arg3: memref<65536xi32, #tpu.memory_space<hbm>>, %arg4: memref<1048576xf32, #tpu.memory_space<hbm>>, %arg5: memref<16384xf32, #tpu.memory_space<vmem>>, %arg6: memref<2048xi32, #tpu.memory_space<vmem>>, %arg7: memref<32768xf32, #tpu.memory_space<vmem>>) attributes {dimension_semantics = [#tpu.dimension_semantics<core_parallel>, #tpu.dimension_semantics<subcore_parallel>], iteration_bounds = array<i64: 2, 16>, scalar_prefetch = 0 : i64, scratch_operands = 3 : i64, tpu.core_type = #tpu.core_type<sc_vector_subcore>, window_params = [{transform_indices = #map}, {transform_indices = #map}, {transform_indices = #map}]} {
    %mul3A = arith.constant 2 : i32
    %mul3A_0 = arith.muli %arg1, %mul3A : i32
    %add3A = arith.addi %mul3A_0, %arg0 : i32
    %mul3A_1 = arith.constant 2048 : i32
    %mul3A_2 = arith.muli %add3A, %mul3A_1 : i32
    "tpu.region"() ({
      %run_scoped3A = tpu.sem_alloc : memref<!tpu.dma_semaphore, #tpu.memory_space<semaphore_mem>>
      tpu.enqueue_dma source(%arg2 : memref<16384xf32, #tpu.memory_space<hbm>>) target(%arg5 : memref<16384xf32, #tpu.memory_space<vmem>>) target_semaphore(%run_scoped3A : memref<!tpu.dma_semaphore, #tpu.memory_space<semaphore_mem>>)
      tpu.wait_dma2 semaphore(%run_scoped3A : memref<!tpu.dma_semaphore, #tpu.memory_space<semaphore_mem>>) src(%arg2 : memref<16384xf32, #tpu.memory_space<hbm>>) dst(%arg5 : memref<16384xf32, #tpu.memory_space<vmem>>)
      tpu.yield
    }) : () -> ()
    "tpu.region"() ({
      %run_scoped3A = tpu.sem_alloc : memref<!tpu.dma_semaphore, #tpu.memory_space<semaphore_mem>>
      %dma_start3A = tpu.memref_slice %arg3[%mul3A_2] : memref<65536xi32, #tpu.memory_space<hbm>> -> memref<2048xi32, #tpu.memory_space<hbm>>
      %dma_start3A_14 = tpu.memref_slice %arg3[%mul3A_2] : memref<65536xi32, #tpu.memory_space<hbm>> -> memref<2048xi32, #tpu.memory_space<hbm>>
      tpu.enqueue_dma source(%dma_start3A_14 : memref<2048xi32, #tpu.memory_space<hbm>>) target(%arg6 : memref<2048xi32, #tpu.memory_space<vmem>>) target_semaphore(%run_scoped3A : memref<!tpu.dma_semaphore, #tpu.memory_space<semaphore_mem>>)
      %dma_wait3A = tpu.memref_slice %arg3[%mul3A_2] : memref<65536xi32, #tpu.memory_space<hbm>> -> memref<2048xi32, #tpu.memory_space<hbm>>
      %dma_wait3A_15 = tpu.memref_slice %arg3[%mul3A_2] : memref<65536xi32, #tpu.memory_space<hbm>> -> memref<2048xi32, #tpu.memory_space<hbm>>
      tpu.wait_dma2 semaphore(%run_scoped3A : memref<!tpu.dma_semaphore, #tpu.memory_space<semaphore_mem>>) src(%dma_wait3A_15 : memref<2048xi32, #tpu.memory_space<hbm>>) dst(%arg6 : memref<2048xi32, #tpu.memory_space<vmem>>)
      tpu.yield
    }) : () -> ()
    %iota3A = tpu.iota {dimensions = array<i32: 0>} : vector<16xi32>
    %broadcast_in_dim3A = arith.constant 0.000000e+00 : f32
    %broadcast_in_dim3A_3 = vector.broadcast %broadcast_in_dim3A : f32 to vector<16xf32>
    %add3A_4 = arith.constant 1.000000e+00 : f32
    %add3A_5 = vector.broadcast %add3A_4 : f32 to vector<16xf32>
    %add3A_6 = arith.addf %broadcast_in_dim3A_3, %add3A_5 : vector<16xf32>
    %scan3A = arith.constant 0 : i32
    %scan3A_7 = arith.constant 0 : i32
    %scan3A_8 = arith.constant 128 : i32
    %scan3A_9 = arith.addi %scan3A_7, %scan3A_8 : i32
    %scan3A_10 = arith.constant 1 : i32
    scf.for %scan3A_14 = %scan3A_7 to %scan3A_9 step %scan3A_10  : i32 {
      %mul3A_15 = arith.constant 16 : i32
      %mul3A_16 = arith.muli %scan3A_14, %mul3A_15 : i32
      %add3A_17 = arith.constant 0 : i32
      %add3A_18 = arith.addi %add3A_17, %mul3A_2 : i32
      %add3A_19 = arith.addi %add3A_18, %mul3A_16 : i32
      %shift_right_arithmetic3A = arith.constant 5 : i32
      %shift_right_arithmetic3A_20 = arith.shrsi %add3A_19, %shift_right_arithmetic3A : i32
      %mul3A_21 = arith.constant 0 : i32
      %mul3A_22 = vector.broadcast %mul3A_21 : i32 to vector<16xi32>
      %mul3A_23 = arith.muli %iota3A, %mul3A_22 : vector<16xi32>
      %add3A_24 = vector.broadcast %shift_right_arithmetic3A_20 : i32 to vector<16xi32>
      %add3A_25 = arith.addi %mul3A_23, %add3A_24 : vector<16xi32>
      %get3A = arith.index_cast %mul3A_16 : i32 to index
      %get3A_26 = tpu.vector_load %arg6[%get3A] {strides = array<i32>} : memref<2048xi32, #tpu.memory_space<vmem>>, vector<16xi32>,
      %add3A_27 = vector.broadcast %mul3A_16 : i32 to vector<16xi32>
      %add3A_28 = arith.addi %add3A_27, %iota3A : vector<16xi32>
      %mul3A_29 = arith.constant 16 : i32
      %mul3A_30 = vector.broadcast %mul3A_29 : i32 to vector<16xi32>
      %mul3A_31 = arith.muli %add3A_28, %mul3A_30 : vector<16xi32>
      %add3A_32 = arith.constant 0 : i32
      %add3A_33 = vector.broadcast %add3A_32 : i32 to vector<16xi32>
      %add3A_34 = arith.addi %get3A_26, %add3A_33 : vector<16xi32>
      %gather3A = tpu.vector_load_idx %arg5[%add3A_34] : memref<16384xf32, #tpu.memory_space<vmem>>[vector<16xi32>], vector<16xf32>,
      %add3A_35 = arith.constant 0 : i32
      %add3A_36 = vector.broadcast %add3A_35 : i32 to vector<16xi32>
      %add3A_37 = arith.addi %add3A_25, %add3A_36 : vector<16xi32>
      %gather3A_38 = tpu.vector_load_idx %arg5[%add3A_37] : memref<16384xf32, #tpu.memory_space<vmem>>[vector<16xi32>], vector<16xf32>,
      %sub3A = arith.subf %gather3A_38, %gather3A : vector<16xf32>
      %add3A_39 = arith.constant 0 : i32
      %add3A_40 = vector.broadcast %add3A_39 : i32 to vector<16xi32>
      %add3A_41 = arith.addi %mul3A_31, %add3A_40 : vector<16xi32>
      tpu.vector_store_idx %arg7[%add3A_41], %sub3A : memref<32768xf32, #tpu.memory_space<vmem>>[vector<16xi32>], vector<16xf32>,
      %add3A_42 = arith.constant 4096 : i32
      %add3A_43 = vector.broadcast %add3A_42 : i32 to vector<16xi32>
      %add3A_44 = arith.addi %get3A_26, %add3A_43 : vector<16xi32>
      %gather3A_45 = tpu.vector_load_idx %arg5[%add3A_44] : memref<16384xf32, #tpu.memory_space<vmem>>[vector<16xi32>], vector<16xf32>,
      %add3A_46 = arith.constant 4096 : i32
      %add3A_47 = vector.broadcast %add3A_46 : i32 to vector<16xi32>
      %add3A_48 = arith.addi %add3A_25, %add3A_47 : vector<16xi32>
      %gather3A_49 = tpu.vector_load_idx %arg5[%add3A_48] : memref<16384xf32, #tpu.memory_space<vmem>>[vector<16xi32>], vector<16xf32>,
      %sub3A_50 = arith.subf %gather3A_49, %gather3A_45 : vector<16xf32>
      %add3A_51 = arith.constant 1 : i32
      %add3A_52 = vector.broadcast %add3A_51 : i32 to vector<16xi32>
      %add3A_53 = arith.addi %mul3A_31, %add3A_52 : vector<16xi32>
      tpu.vector_store_idx %arg7[%add3A_53], %sub3A_50 : memref<32768xf32, #tpu.memory_space<vmem>>[vector<16xi32>], vector<16xf32>,
      %add3A_54 = arith.constant 8192 : i32
      %add3A_55 = vector.broadcast %add3A_54 : i32 to vector<16xi32>
      %add3A_56 = arith.addi %get3A_26, %add3A_55 : vector<16xi32>
      %gather3A_57 = tpu.vector_load_idx %arg5[%add3A_56] : memref<16384xf32, #tpu.memory_space<vmem>>[vector<16xi32>], vector<16xf32>,
      %add3A_58 = arith.constant 8192 : i32
      %add3A_59 = vector.broadcast %add3A_58 : i32 to vector<16xi32>
      %add3A_60 = arith.addi %add3A_25, %add3A_59 : vector<16xi32>
      %gather3A_61 = tpu.vector_load_idx %arg5[%add3A_60] : memref<16384xf32, #tpu.memory_space<vmem>>[vector<16xi32>], vector<16xf32>,
      %sub3A_62 = arith.subf %gather3A_61, %gather3A_57 : vector<16xf32>
      %add3A_63 = arith.constant 2 : i32
      %add3A_64 = vector.broadcast %add3A_63 : i32 to vector<16xi32>
      %add3A_65 = arith.addi %mul3A_31, %add3A_64 : vector<16xi32>
      tpu.vector_store_idx %arg7[%add3A_65], %sub3A_62 : memref<32768xf32, #tpu.memory_space<vmem>>[vector<16xi32>], vector<16xf32>,
      %add3A_66 = arith.constant 12288 : i32
      %add3A_67 = vector.broadcast %add3A_66 : i32 to vector<16xi32>
      %add3A_68 = arith.addi %get3A_26, %add3A_67 : vector<16xi32>
      %gather3A_69 = tpu.vector_load_idx %arg5[%add3A_68] : memref<16384xf32, #tpu.memory_space<vmem>>[vector<16xi32>], vector<16xf32>,
      %add3A_70 = arith.constant 12288 : i32
      %add3A_71 = vector.broadcast %add3A_70 : i32 to vector<16xi32>
      %add3A_72 = arith.addi %add3A_25, %add3A_71 : vector<16xi32>
      %gather3A_73 = tpu.vector_load_idx %arg5[%add3A_72] : memref<16384xf32, #tpu.memory_space<vmem>>[vector<16xi32>], vector<16xf32>,
      %sub3A_74 = arith.subf %gather3A_73, %gather3A_69 : vector<16xf32>
      %add3A_75 = arith.constant 3 : i32
      %add3A_76 = vector.broadcast %add3A_75 : i32 to vector<16xi32>
      %add3A_77 = arith.addi %mul3A_31, %add3A_76 : vector<16xi32>
      tpu.vector_store_idx %arg7[%add3A_77], %sub3A_74 : memref<32768xf32, #tpu.memory_space<vmem>>[vector<16xi32>], vector<16xf32>,
      %eq3A = arith.cmpi eq, %get3A_26, %add3A_25 : vector<16xi32>
      %select_n3A = arith.select %eq3A, %add3A_6, %broadcast_in_dim3A_3 : vector<16xi1>, vector<16xf32>
      %add3A_78 = arith.constant 4 : i32
      %add3A_79 = vector.broadcast %add3A_78 : i32 to vector<16xi32>
      %add3A_80 = arith.addi %mul3A_31, %add3A_79 : vector<16xi32>
      tpu.vector_store_idx %arg7[%add3A_80], %select_n3A : memref<32768xf32, #tpu.memory_space<vmem>>[vector<16xi32>], vector<16xf32>,
      %mul3A_81 = arith.mulf %sub3A, %sub3A : vector<16xf32>
      %mul3A_82 = arith.mulf %sub3A_50, %sub3A_50 : vector<16xf32>
      %add3A_83 = arith.addf %mul3A_81, %mul3A_82 : vector<16xf32>
      %lt3A = arith.constant 1.000000e+00 : f32
      %lt3A_84 = vector.broadcast %lt3A : f32 to vector<16xf32>
      %lt3A_85 = arith.cmpf olt, %add3A_83, %lt3A_84 : vector<16xf32>
      %select_n3A_86 = arith.select %lt3A_85, %add3A_6, %broadcast_in_dim3A_3 : vector<16xi1>, vector<16xf32>
      %add3A_87 = arith.constant 5 : i32
      %add3A_88 = vector.broadcast %add3A_87 : i32 to vector<16xi32>
      %add3A_89 = arith.addi %mul3A_31, %add3A_88 : vector<16xi32>
      tpu.vector_store_idx %arg7[%add3A_89], %select_n3A_86 : memref<32768xf32, #tpu.memory_space<vmem>>[vector<16xi32>], vector<16xf32>,
    }
    %scan3A_11 = arith.constant 128 : i32
    %mul3A_12 = arith.constant 16 : i32
    %mul3A_13 = arith.muli %mul3A_2, %mul3A_12 : i32
    "tpu.region"() ({
      %run_scoped3A = tpu.sem_alloc : memref<!tpu.dma_semaphore, #tpu.memory_space<semaphore_mem>>
      %dma_start3A = tpu.memref_slice %arg4[%mul3A_13] : memref<1048576xf32, #tpu.memory_space<hbm>> -> memref<32768xf32, #tpu.memory_space<hbm>>
      %dma_start3A_14 = tpu.memref_slice %arg4[%mul3A_13] : memref<1048576xf32, #tpu.memory_space<hbm>> -> memref<32768xf32, #tpu.memory_space<hbm>>
      tpu.enqueue_dma source(%arg7 : memref<32768xf32, #tpu.memory_space<vmem>>) target(%dma_start3A_14 : memref<32768xf32, #tpu.memory_space<hbm>>) target_semaphore(%run_scoped3A : memref<!tpu.dma_semaphore, #tpu.memory_space<semaphore_mem>>)
      %dma_wait3A = tpu.memref_slice %arg4[%mul3A_13] : memref<1048576xf32, #tpu.memory_space<hbm>> -> memref<32768xf32, #tpu.memory_space<hbm>>
      %dma_wait3A_15 = tpu.memref_slice %arg4[%mul3A_13] : memref<1048576xf32, #tpu.memory_space<hbm>> -> memref<32768xf32, #tpu.memory_space<hbm>>
      tpu.wait_dma2 semaphore(%run_scoped3A : memref<!tpu.dma_semaphore, #tpu.memory_space<semaphore_mem>>) src(%arg7 : memref<32768xf32, #tpu.memory_space<vmem>>) dst(%dma_wait3A_15 : memref<32768xf32, #tpu.memory_space<hbm>>)
      tpu.yield
    }) : () -> ()
    return
  }
}

#map = affine_map<(d0, d1) -> (0)>
module attributes {stable_mosaic.version = 14 : i64} {
  func.func @k(%arg0: i32, %arg1: i32, %arg2: memref<16384xf32, #tpu.memory_space<hbm>>, %arg3: memref<65536xi32, #tpu.memory_space<hbm>>, %arg4: memref<1048576xf32, #tpu.memory_space<hbm>>, %arg5: memref<16384xf32, #tpu.memory_space<vmem>>, %arg6: memref<2048xi32, #tpu.memory_space<vmem>>, %arg7: memref<32768xf32, #tpu.memory_space<vmem>>) attributes {dimension_semantics = [#tpu.dimension_semantics<core_parallel>, #tpu.dimension_semantics<subcore_parallel>], iteration_bounds = array<i64: 2, 16>, scalar_prefetch = 0 : i64, scratch_operands = 3 : i64, tpu.core_type = #tpu.core_type<sc_vector_subcore>, window_params = [{transform_indices = #map}, {transform_indices = #map}, {transform_indices = #map}]} {
    %mul3A = arith.constant 2 : i32
    %mul3A_0 = arith.muli %arg1, %mul3A : i32
    %add3A = arith.addi %mul3A_0, %arg0 : i32
    %mul3A_1 = arith.constant 2048 : i32
    %mul3A_2 = arith.muli %add3A, %mul3A_1 : i32
    "tpu.region"() ({
      %run_scoped3A = tpu.sem_alloc : memref<!tpu.dma_semaphore, #tpu.memory_space<semaphore_mem>>
      tpu.enqueue_dma source(%arg2 : memref<16384xf32, #tpu.memory_space<hbm>>) target(%arg5 : memref<16384xf32, #tpu.memory_space<vmem>>) target_semaphore(%run_scoped3A : memref<!tpu.dma_semaphore, #tpu.memory_space<semaphore_mem>>)
      tpu.wait_dma2 semaphore(%run_scoped3A : memref<!tpu.dma_semaphore, #tpu.memory_space<semaphore_mem>>) src(%arg2 : memref<16384xf32, #tpu.memory_space<hbm>>) dst(%arg5 : memref<16384xf32, #tpu.memory_space<vmem>>)
      tpu.yield
    }) : () -> ()
    "tpu.region"() ({
      %run_scoped3A = tpu.sem_alloc : memref<!tpu.dma_semaphore, #tpu.memory_space<semaphore_mem>>
      %dma_start3A = tpu.memref_slice %arg3[%mul3A_2] : memref<65536xi32, #tpu.memory_space<hbm>> -> memref<2048xi32, #tpu.memory_space<hbm>>
      %dma_start3A_14 = tpu.memref_slice %arg3[%mul3A_2] : memref<65536xi32, #tpu.memory_space<hbm>> -> memref<2048xi32, #tpu.memory_space<hbm>>
      tpu.enqueue_dma source(%dma_start3A_14 : memref<2048xi32, #tpu.memory_space<hbm>>) target(%arg6 : memref<2048xi32, #tpu.memory_space<vmem>>) target_semaphore(%run_scoped3A : memref<!tpu.dma_semaphore, #tpu.memory_space<semaphore_mem>>)
      %dma_wait3A = tpu.memref_slice %arg3[%mul3A_2] : memref<65536xi32, #tpu.memory_space<hbm>> -> memref<2048xi32, #tpu.memory_space<hbm>>
      %dma_wait3A_15 = tpu.memref_slice %arg3[%mul3A_2] : memref<65536xi32, #tpu.memory_space<hbm>> -> memref<2048xi32, #tpu.memory_space<hbm>>
      tpu.wait_dma2 semaphore(%run_scoped3A : memref<!tpu.dma_semaphore, #tpu.memory_space<semaphore_mem>>) src(%dma_wait3A_15 : memref<2048xi32, #tpu.memory_space<hbm>>) dst(%arg6 : memref<2048xi32, #tpu.memory_space<vmem>>)
      tpu.yield
    }) : () -> ()
    %iota3A = tpu.iota {dimensions = array<i32: 0>} : vector<16xi32>
    %broadcast_in_dim3A = arith.constant 0.000000e+00 : f32
    %broadcast_in_dim3A_3 = vector.broadcast %broadcast_in_dim3A : f32 to vector<16xf32>
    %add3A_4 = arith.constant 1.000000e+00 : f32
    %add3A_5 = vector.broadcast %add3A_4 : f32 to vector<16xf32>
    %add3A_6 = arith.addf %broadcast_in_dim3A_3, %add3A_5 : vector<16xf32>
    %scan3A = arith.constant 0 : i32
    %scan3A_7 = arith.constant 0 : i32
    %scan3A_8 = arith.constant 128 : i32
    %scan3A_9 = arith.addi %scan3A_7, %scan3A_8 : i32
    %scan3A_10 = arith.constant 1 : i32
    scf.for %scan3A_14 = %scan3A_7 to %scan3A_9 step %scan3A_10  : i32 {
      %mul3A_15 = arith.constant 16 : i32
      %mul3A_16 = arith.muli %scan3A_14, %mul3A_15 : i32
      %add3A_17 = arith.constant 65536 : i32
      %add3A_18 = arith.addi %add3A_17, %mul3A_2 : i32
      %add3A_19 = arith.addi %add3A_18, %mul3A_16 : i32
      %shift_right_arithmetic3A = arith.constant 5 : i32
      %shift_right_arithmetic3A_20 = arith.shrsi %add3A_19, %shift_right_arithmetic3A : i32
      %mul3A_21 = arith.constant 0 : i32
      %mul3A_22 = vector.broadcast %mul3A_21 : i32 to vector<16xi32>
      %mul3A_23 = arith.muli %iota3A, %mul3A_22 : vector<16xi32>
      %add3A_24 = vector.broadcast %shift_right_arithmetic3A_20 : i32 to vector<16xi32>
      %add3A_25 = arith.addi %mul3A_23, %add3A_24 : vector<16xi32>
      %get3A = arith.index_cast %mul3A_16 : i32 to index
      %get3A_26 = tpu.vector_load %arg6[%get3A] {strides = array<i32>} : memref<2048xi32, #tpu.memory_space<vmem>>, vector<16xi32>,
      %add3A_27 = vector.broadcast %mul3A_16 : i32 to vector<16xi32>
      %add3A_28 = arith.addi %add3A_27, %iota3A : vector<16xi32>
      %mul3A_29 = arith.constant 16 : i32
      %mul3A_30 = vector.broadcast %mul3A_29 : i32 to vector<16xi32>
      %mul3A_31 = arith.muli %add3A_28, %mul3A_30 : vector<16xi32>
      %add3A_32 = arith.constant 0 : i32
      %add3A_33 = vector.broadcast %add3A_32 : i32 to vector<16xi32>
      %add3A_34 = arith.addi %get3A_26, %add3A_33 : vector<16xi32>
      %gather3A = tpu.vector_load_idx %arg5[%add3A_34] : memref<16384xf32, #tpu.memory_space<vmem>>[vector<16xi32>], vector<16xf32>,
      %add3A_35 = arith.constant 0 : i32
      %add3A_36 = vector.broadcast %add3A_35 : i32 to vector<16xi32>
      %add3A_37 = arith.addi %add3A_25, %add3A_36 : vector<16xi32>
      %gather3A_38 = tpu.vector_load_idx %arg5[%add3A_37] : memref<16384xf32, #tpu.memory_space<vmem>>[vector<16xi32>], vector<16xf32>,
      %sub3A = arith.subf %gather3A_38, %gather3A : vector<16xf32>
      %add3A_39 = arith.constant 0 : i32
      %add3A_40 = vector.broadcast %add3A_39 : i32 to vector<16xi32>
      %add3A_41 = arith.addi %mul3A_31, %add3A_40 : vector<16xi32>
      tpu.vector_store_idx %arg7[%add3A_41], %sub3A : memref<32768xf32, #tpu.memory_space<vmem>>[vector<16xi32>], vector<16xf32>,
      %add3A_42 = arith.constant 4096 : i32
      %add3A_43 = vector.broadcast %add3A_42 : i32 to vector<16xi32>
      %add3A_44 = arith.addi %get3A_26, %add3A_43 : vector<16xi32>
      %gather3A_45 = tpu.vector_load_idx %arg5[%add3A_44] : memref<16384xf32, #tpu.memory_space<vmem>>[vector<16xi32>], vector<16xf32>,
      %add3A_46 = arith.constant 4096 : i32
      %add3A_47 = vector.broadcast %add3A_46 : i32 to vector<16xi32>
      %add3A_48 = arith.addi %add3A_25, %add3A_47 : vector<16xi32>
      %gather3A_49 = tpu.vector_load_idx %arg5[%add3A_48] : memref<16384xf32, #tpu.memory_space<vmem>>[vector<16xi32>], vector<16xf32>,
      %sub3A_50 = arith.subf %gather3A_49, %gather3A_45 : vector<16xf32>
      %add3A_51 = arith.constant 1 : i32
      %add3A_52 = vector.broadcast %add3A_51 : i32 to vector<16xi32>
      %add3A_53 = arith.addi %mul3A_31, %add3A_52 : vector<16xi32>
      tpu.vector_store_idx %arg7[%add3A_53], %sub3A_50 : memref<32768xf32, #tpu.memory_space<vmem>>[vector<16xi32>], vector<16xf32>,
      %add3A_54 = arith.constant 8192 : i32
      %add3A_55 = vector.broadcast %add3A_54 : i32 to vector<16xi32>
      %add3A_56 = arith.addi %get3A_26, %add3A_55 : vector<16xi32>
      %gather3A_57 = tpu.vector_load_idx %arg5[%add3A_56] : memref<16384xf32, #tpu.memory_space<vmem>>[vector<16xi32>], vector<16xf32>,
      %add3A_58 = arith.constant 8192 : i32
      %add3A_59 = vector.broadcast %add3A_58 : i32 to vector<16xi32>
      %add3A_60 = arith.addi %add3A_25, %add3A_59 : vector<16xi32>
      %gather3A_61 = tpu.vector_load_idx %arg5[%add3A_60] : memref<16384xf32, #tpu.memory_space<vmem>>[vector<16xi32>], vector<16xf32>,
      %sub3A_62 = arith.subf %gather3A_61, %gather3A_57 : vector<16xf32>
      %add3A_63 = arith.constant 2 : i32
      %add3A_64 = vector.broadcast %add3A_63 : i32 to vector<16xi32>
      %add3A_65 = arith.addi %mul3A_31, %add3A_64 : vector<16xi32>
      tpu.vector_store_idx %arg7[%add3A_65], %sub3A_62 : memref<32768xf32, #tpu.memory_space<vmem>>[vector<16xi32>], vector<16xf32>,
      %add3A_66 = arith.constant 12288 : i32
      %add3A_67 = vector.broadcast %add3A_66 : i32 to vector<16xi32>
      %add3A_68 = arith.addi %get3A_26, %add3A_67 : vector<16xi32>
      %gather3A_69 = tpu.vector_load_idx %arg5[%add3A_68] : memref<16384xf32, #tpu.memory_space<vmem>>[vector<16xi32>], vector<16xf32>,
      %add3A_70 = arith.constant 12288 : i32
      %add3A_71 = vector.broadcast %add3A_70 : i32 to vector<16xi32>
      %add3A_72 = arith.addi %add3A_25, %add3A_71 : vector<16xi32>
      %gather3A_73 = tpu.vector_load_idx %arg5[%add3A_72] : memref<16384xf32, #tpu.memory_space<vmem>>[vector<16xi32>], vector<16xf32>,
      %sub3A_74 = arith.subf %gather3A_73, %gather3A_69 : vector<16xf32>
      %add3A_75 = arith.constant 3 : i32
      %add3A_76 = vector.broadcast %add3A_75 : i32 to vector<16xi32>
      %add3A_77 = arith.addi %mul3A_31, %add3A_76 : vector<16xi32>
      tpu.vector_store_idx %arg7[%add3A_77], %sub3A_74 : memref<32768xf32, #tpu.memory_space<vmem>>[vector<16xi32>], vector<16xf32>,
      %eq3A = arith.cmpi eq, %get3A_26, %add3A_25 : vector<16xi32>
      %select_n3A = arith.select %eq3A, %add3A_6, %broadcast_in_dim3A_3 : vector<16xi1>, vector<16xf32>
      %add3A_78 = arith.constant 4 : i32
      %add3A_79 = vector.broadcast %add3A_78 : i32 to vector<16xi32>
      %add3A_80 = arith.addi %mul3A_31, %add3A_79 : vector<16xi32>
      tpu.vector_store_idx %arg7[%add3A_80], %select_n3A : memref<32768xf32, #tpu.memory_space<vmem>>[vector<16xi32>], vector<16xf32>,
      %mul3A_81 = arith.mulf %sub3A, %sub3A : vector<16xf32>
      %mul3A_82 = arith.mulf %sub3A_50, %sub3A_50 : vector<16xf32>
      %add3A_83 = arith.addf %mul3A_81, %mul3A_82 : vector<16xf32>
      %lt3A = arith.constant 1.000000e+00 : f32
      %lt3A_84 = vector.broadcast %lt3A : f32 to vector<16xf32>
      %lt3A_85 = arith.cmpf olt, %add3A_83, %lt3A_84 : vector<16xf32>
      %select_n3A_86 = arith.select %lt3A_85, %add3A_6, %broadcast_in_dim3A_3 : vector<16xi1>, vector<16xf32>
      %add3A_87 = arith.constant 5 : i32
      %add3A_88 = vector.broadcast %add3A_87 : i32 to vector<16xi32>
      %add3A_89 = arith.addi %mul3A_31, %add3A_88 : vector<16xi32>
      tpu.vector_store_idx %arg7[%add3A_89], %select_n3A_86 : memref<32768xf32, #tpu.memory_space<vmem>>[vector<16xi32>], vector<16xf32>,
    }
    %scan3A_11 = arith.constant 128 : i32
    %mul3A_12 = arith.constant 16 : i32
    %mul3A_13 = arith.muli %mul3A_2, %mul3A_12 : i32
    "tpu.region"() ({
      %run_scoped3A = tpu.sem_alloc : memref<!tpu.dma_semaphore, #tpu.memory_space<semaphore_mem>>
      %dma_start3A = tpu.memref_slice %arg4[%mul3A_13] : memref<1048576xf32, #tpu.memory_space<hbm>> -> memref<32768xf32, #tpu.memory_space<hbm>>
      %dma_start3A_14 = tpu.memref_slice %arg4[%mul3A_13] : memref<1048576xf32, #tpu.memory_space<hbm>> -> memref<32768xf32, #tpu.memory_space<hbm>>
      tpu.enqueue_dma source(%arg7 : memref<32768xf32, #tpu.memory_space<vmem>>) target(%dma_start3A_14 : memref<32768xf32, #tpu.memory_space<hbm>>) target_semaphore(%run_scoped3A : memref<!tpu.dma_semaphore, #tpu.memory_space<semaphore_mem>>)
      %dma_wait3A = tpu.memref_slice %arg4[%mul3A_13] : memref<1048576xf32, #tpu.memory_space<hbm>> -> memref<32768xf32, #tpu.memory_space<hbm>>
      %dma_wait3A_15 = tpu.memref_slice %arg4[%mul3A_13] : memref<1048576xf32, #tpu.memory_space<hbm>> -> memref<32768xf32, #tpu.memory_space<hbm>>
      tpu.wait_dma2 semaphore(%run_scoped3A : memref<!tpu.dma_semaphore, #tpu.memory_space<semaphore_mem>>) src(%arg7 : memref<32768xf32, #tpu.memory_space<vmem>>) dst(%dma_wait3A_15 : memref<32768xf32, #tpu.memory_space<hbm>>)
      tpu.yield
    }) : () -> ()
    return
  }
}

module attributes {stable_mosaic.version = 14 : i64} {
  func.func @body(%arg0: i32, %arg1: memref<4096x4xf32, #tpu.memory_space<vmem>>, %arg2: memref<4x4096xf32, #tpu.memory_space<vmem>>, %arg3: memref<32x256xi32, #tpu.memory_space<vmem>>) attributes {dimension_semantics = [#tpu.dimension_semantics<arbitrary>], iteration_bounds = array<i64: 8>, scalar_prefetch = 0 : i64, scratch_operands = 0 : i64, tpu.core_type = #tpu.core_type<tc>, window_params = [{pipeline_mode = #tpu.pipeline_mode<synchronous>, transform_indices = @transform_0, window_bounds = array<i64: 4096, 4>}, {pipeline_mode = #tpu.pipeline_mode<synchronous>, transform_indices = @transform_1, window_bounds = array<i64: 4, 4096>}, {transform_indices = @transform_2, window_bounds = array<i64: 32, 256>}]} {
    %add3A = arith.constant 0 : i32
    %add3A_0 = arith.addi %arg0, %add3A : i32
    %get3A = arith.constant 0 : index
    %get3A_1 = arith.constant 0 : index
    %get3A_2 = vector.load %arg1[%get3A, %get3A_1] : memref<4096x4xf32, #tpu.memory_space<vmem>>, vector<4096x1xf32>
    %get3A_3 = arith.constant 0 : index
    %get3A_4 = arith.constant 1 : index
    %get3A_5 = vector.load %arg1[%get3A_3, %get3A_4] : memref<4096x4xf32, #tpu.memory_space<vmem>>, vector<4096x1xf32>
    %mul3A = arith.constant 256 : i32
    %mul3A_6 = arith.muli %add3A_0, %mul3A : i32
    %get3A_7 = arith.constant 0 : index
    %get3A_8 = arith.index_cast %mul3A_6 : i32 to index
    %get3A_9 = vector.load %arg2[%get3A_7, %get3A_8] : memref<4x4096xf32, #tpu.memory_space<vmem>>, vector<1x256xf32>
    %mul3A_10 = arith.constant 256 : i32
    %mul3A_11 = arith.muli %add3A_0, %mul3A_10 : i32
    %get3A_12 = arith.constant 1 : index
    %get3A_13 = arith.index_cast %mul3A_11 : i32 to index
    %get3A_14 = vector.load %arg2[%get3A_12, %get3A_13] : memref<4x4096xf32, #tpu.memory_space<vmem>>, vector<1x256xf32>
    %sub3A = vector.broadcast %get3A_2 : vector<4096x1xf32> to vector<4096x256xf32>
    %sub3A_15 = vector.broadcast %get3A_9 : vector<1x256xf32> to vector<4096x256xf32>
    %sub3A_16 = arith.subf %sub3A, %sub3A_15 : vector<4096x256xf32>
    %sub3A_17 = vector.broadcast %get3A_5 : vector<4096x1xf32> to vector<4096x256xf32>
    %sub3A_18 = vector.broadcast %get3A_14 : vector<1x256xf32> to vector<4096x256xf32>
    %sub3A_19 = arith.subf %sub3A_17, %sub3A_18 : vector<4096x256xf32>
    %mul3A_20 = arith.mulf %sub3A_16, %sub3A_16 : vector<4096x256xf32>
    %add3A_21 = arith.constant 9.99999997E-7 : f32
    %add3A_22 = vector.broadcast %add3A_21 : f32 to vector<4096x256xf32>
    %add3A_23 = arith.addf %mul3A_20, %add3A_22 : vector<4096x256xf32>
    %mul3A_24 = arith.mulf %sub3A_19, %sub3A_19 : vector<4096x256xf32>
    %add3A_25 = arith.constant 9.99999997E-7 : f32
    %add3A_26 = vector.broadcast %add3A_25 : f32 to vector<4096x256xf32>
    %add3A_27 = arith.addf %mul3A_24, %add3A_26 : vector<4096x256xf32>
    %add3A_28 = arith.addf %add3A_23, %add3A_27 : vector<4096x256xf32>
    %sqrt3A = math.sqrt %add3A_28 : vector<4096x256xf32>
    %iota3A = tpu.iota {dimensions = array<i32: 0>} : vector<4096x256xi32>
    %argmin3A = tpu.reduce_index %sqrt3A {axis = 0 : i32, kind = #tpu.reduction_kind<arg_min>} : vector<4096x256xf32> -> vector<256xi32>
    %broadcast_in_dim3A = vector.shape_cast %argmin3A : vector<256xi32> to vector<1x256xi32>
    %swap3A = arith.constant 0 : index
    %swap3A_29 = arith.constant 0 : index
    %swap3A_30 = vector.load %arg3[%swap3A, %swap3A_29] : memref<32x256xi32, #tpu.memory_space<vmem>>, vector<1x256xi32>
    tpu.vector_store %arg3[%swap3A, %swap3A_29], %broadcast_in_dim3A {strides = array<i32>} : memref<32x256xi32, #tpu.memory_space<vmem>>, vector<1x256xi32>,
    %eq3A = vector.broadcast %broadcast_in_dim3A : vector<1x256xi32> to vector<4096x256xi32>
    %eq3A_31 = arith.cmpi eq, %iota3A, %eq3A : vector<4096x256xi32>
    %jit3A = arith.constant 0x7F800000 : f32
    %broadcast_in_dim3A_32 = vector.broadcast %jit3A : f32 to vector<4096x256xf32>
    %select_n3A = arith.select %eq3A_31, %broadcast_in_dim3A_32, %sqrt3A : vector<4096x256xi1>, vector<4096x256xf32>
    %argmin3A_33 = tpu.reduce_index %select_n3A {axis = 0 : i32, kind = #tpu.reduction_kind<arg_min>} : vector<4096x256xf32> -> vector<256xi32>
    %broadcast_in_dim3A_34 = vector.shape_cast %argmin3A_33 : vector<256xi32> to vector<1x256xi32>
    %swap3A_35 = arith.constant 1 : index
    %swap3A_36 = arith.constant 0 : index
    %swap3A_37 = vector.load %arg3[%swap3A_35, %swap3A_36] : memref<32x256xi32, #tpu.memory_space<vmem>>, vector<1x256xi32>
    tpu.vector_store %arg3[%swap3A_35, %swap3A_36], %broadcast_in_dim3A_34 {strides = array<i32>} : memref<32x256xi32, #tpu.memory_space<vmem>>, vector<1x256xi32>,
    %eq3A_38 = vector.broadcast %broadcast_in_dim3A_34 : vector<1x256xi32> to vector<4096x256xi32>
    %eq3A_39 = arith.cmpi eq, %iota3A, %eq3A_38 : vector<4096x256xi32>
    %jit3A_40 = arith.constant 0x7F800000 : f32
    %broadcast_in_dim3A_41 = vector.broadcast %jit3A_40 : f32 to vector<4096x256xf32>
    %select_n3A_42 = arith.select %eq3A_39, %broadcast_in_dim3A_41, %select_n3A : vector<4096x256xi1>, vector<4096x256xf32>
    %argmin3A_43 = tpu.reduce_index %select_n3A_42 {axis = 0 : i32, kind = #tpu.reduction_kind<arg_min>} : vector<4096x256xf32> -> vector<256xi32>
    %broadcast_in_dim3A_44 = vector.shape_cast %argmin3A_43 : vector<256xi32> to vector<1x256xi32>
    %swap3A_45 = arith.constant 2 : index
    %swap3A_46 = arith.constant 0 : index
    %swap3A_47 = vector.load %arg3[%swap3A_45, %swap3A_46] : memref<32x256xi32, #tpu.memory_space<vmem>>, vector<1x256xi32>
    tpu.vector_store %arg3[%swap3A_45, %swap3A_46], %broadcast_in_dim3A_44 {strides = array<i32>} : memref<32x256xi32, #tpu.memory_space<vmem>>, vector<1x256xi32>,
    %eq3A_48 = vector.broadcast %broadcast_in_dim3A_44 : vector<1x256xi32> to vector<4096x256xi32>
    %eq3A_49 = arith.cmpi eq, %iota3A, %eq3A_48 : vector<4096x256xi32>
    %jit3A_50 = arith.constant 0x7F800000 : f32
    %broadcast_in_dim3A_51 = vector.broadcast %jit3A_50 : f32 to vector<4096x256xf32>
    %select_n3A_52 = arith.select %eq3A_49, %broadcast_in_dim3A_51, %select_n3A_42 : vector<4096x256xi1>, vector<4096x256xf32>
    %argmin3A_53 = tpu.reduce_index %select_n3A_52 {axis = 0 : i32, kind = #tpu.reduction_kind<arg_min>} : vector<4096x256xf32> -> vector<256xi32>
    %broadcast_in_dim3A_54 = vector.shape_cast %argmin3A_53 : vector<256xi32> to vector<1x256xi32>
    %swap3A_55 = arith.constant 3 : index
    %swap3A_56 = arith.constant 0 : index
    %swap3A_57 = vector.load %arg3[%swap3A_55, %swap3A_56] : memref<32x256xi32, #tpu.memory_space<vmem>>, vector<1x256xi32>
    tpu.vector_store %arg3[%swap3A_55, %swap3A_56], %broadcast_in_dim3A_54 {strides = array<i32>} : memref<32x256xi32, #tpu.memory_space<vmem>>, vector<1x256xi32>,
    %eq3A_58 = vector.broadcast %broadcast_in_dim3A_54 : vector<1x256xi32> to vector<4096x256xi32>
    %eq3A_59 = arith.cmpi eq, %iota3A, %eq3A_58 : vector<4096x256xi32>
    %jit3A_60 = arith.constant 0x7F800000 : f32
    %broadcast_in_dim3A_61 = vector.broadcast %jit3A_60 : f32 to vector<4096x256xf32>
    %select_n3A_62 = arith.select %eq3A_59, %broadcast_in_dim3A_61, %select_n3A_52 : vector<4096x256xi1>, vector<4096x256xf32>
    %argmin3A_63 = tpu.reduce_index %select_n3A_62 {axis = 0 : i32, kind = #tpu.reduction_kind<arg_min>} : vector<4096x256xf32> -> vector<256xi32>
    %broadcast_in_dim3A_64 = vector.shape_cast %argmin3A_63 : vector<256xi32> to vector<1x256xi32>
    %swap3A_65 = arith.constant 4 : index
    %swap3A_66 = arith.constant 0 : index
    %swap3A_67 = vector.load %arg3[%swap3A_65, %swap3A_66] : memref<32x256xi32, #tpu.memory_space<vmem>>, vector<1x256xi32>
    tpu.vector_store %arg3[%swap3A_65, %swap3A_66], %broadcast_in_dim3A_64 {strides = array<i32>} : memref<32x256xi32, #tpu.memory_space<vmem>>, vector<1x256xi32>,
    %eq3A_68 = vector.broadcast %broadcast_in_dim3A_64 : vector<1x256xi32> to vector<4096x256xi32>
    %eq3A_69 = arith.cmpi eq, %iota3A, %eq3A_68 : vector<4096x256xi32>
    %jit3A_70 = arith.constant 0x7F800000 : f32
    %broadcast_in_dim3A_71 = vector.broadcast %jit3A_70 : f32 to vector<4096x256xf32>
    %select_n3A_72 = arith.select %eq3A_69, %broadcast_in_dim3A_71, %select_n3A_62 : vector<4096x256xi1>, vector<4096x256xf32>
    %argmin3A_73 = tpu.reduce_index %select_n3A_72 {axis = 0 : i32, kind = #tpu.reduction_kind<arg_min>} : vector<4096x256xf32> -> vector<256xi32>
    %broadcast_in_dim3A_74 = vector.shape_cast %argmin3A_73 : vector<256xi32> to vector<1x256xi32>
    %swap3A_75 = arith.constant 5 : index
    %swap3A_76 = arith.constant 0 : index
    %swap3A_77 = vector.load %arg3[%swap3A_75, %swap3A_76] : memref<32x256xi32, #tpu.memory_space<vmem>>, vector<1x256xi32>
    tpu.vector_store %arg3[%swap3A_75, %swap3A_76], %broadcast_in_dim3A_74 {strides = array<i32>} : memref<32x256xi32, #tpu.memory_space<vmem>>, vector<1x256xi32>,
    %eq3A_78 = vector.broadcast %broadcast_in_dim3A_74 : vector<1x256xi32> to vector<4096x256xi32>
    %eq3A_79 = arith.cmpi eq, %iota3A, %eq3A_78 : vector<4096x256xi32>
    %jit3A_80 = arith.constant 0x7F800000 : f32
    %broadcast_in_dim3A_81 = vector.broadcast %jit3A_80 : f32 to vector<4096x256xf32>
    %select_n3A_82 = arith.select %eq3A_79, %broadcast_in_dim3A_81, %select_n3A_72 : vector<4096x256xi1>, vector<4096x256xf32>
    %argmin3A_83 = tpu.reduce_index %select_n3A_82 {axis = 0 : i32, kind = #tpu.reduction_kind<arg_min>} : vector<4096x256xf32> -> vector<256xi32>
    %broadcast_in_dim3A_84 = vector.shape_cast %argmin3A_83 : vector<256xi32> to vector<1x256xi32>
    %swap3A_85 = arith.constant 6 : index
    %swap3A_86 = arith.constant 0 : index
    %swap3A_87 = vector.load %arg3[%swap3A_85, %swap3A_86] : memref<32x256xi32, #tpu.memory_space<vmem>>, vector<1x256xi32>
    tpu.vector_store %arg3[%swap3A_85, %swap3A_86], %broadcast_in_dim3A_84 {strides = array<i32>} : memref<32x256xi32, #tpu.memory_space<vmem>>, vector<1x256xi32>,
    %eq3A_88 = vector.broadcast %broadcast_in_dim3A_84 : vector<1x256xi32> to vector<4096x256xi32>
    %eq3A_89 = arith.cmpi eq, %iota3A, %eq3A_88 : vector<4096x256xi32>
    %jit3A_90 = arith.constant 0x7F800000 : f32
    %broadcast_in_dim3A_91 = vector.broadcast %jit3A_90 : f32 to vector<4096x256xf32>
    %select_n3A_92 = arith.select %eq3A_89, %broadcast_in_dim3A_91, %select_n3A_82 : vector<4096x256xi1>, vector<4096x256xf32>
    %argmin3A_93 = tpu.reduce_index %select_n3A_92 {axis = 0 : i32, kind = #tpu.reduction_kind<arg_min>} : vector<4096x256xf32> -> vector<256xi32>
    %broadcast_in_dim3A_94 = vector.shape_cast %argmin3A_93 : vector<256xi32> to vector<1x256xi32>
    %swap3A_95 = arith.constant 7 : index
    %swap3A_96 = arith.constant 0 : index
    %swap3A_97 = vector.load %arg3[%swap3A_95, %swap3A_96] : memref<32x256xi32, #tpu.memory_space<vmem>>, vector<1x256xi32>
    tpu.vector_store %arg3[%swap3A_95, %swap3A_96], %broadcast_in_dim3A_94 {strides = array<i32>} : memref<32x256xi32, #tpu.memory_space<vmem>>, vector<1x256xi32>,
    %eq3A_98 = vector.broadcast %broadcast_in_dim3A_94 : vector<1x256xi32> to vector<4096x256xi32>
    %eq3A_99 = arith.cmpi eq, %iota3A, %eq3A_98 : vector<4096x256xi32>
    %jit3A_100 = arith.constant 0x7F800000 : f32
    %broadcast_in_dim3A_101 = vector.broadcast %jit3A_100 : f32 to vector<4096x256xf32>
    %select_n3A_102 = arith.select %eq3A_99, %broadcast_in_dim3A_101, %select_n3A_92 : vector<4096x256xi1>, vector<4096x256xf32>
    %argmin3A_103 = tpu.reduce_index %select_n3A_102 {axis = 0 : i32, kind = #tpu.reduction_kind<arg_min>} : vector<4096x256xf32> -> vector<256xi32>
    %broadcast_in_dim3A_104 = vector.shape_cast %argmin3A_103 : vector<256xi32> to vector<1x256xi32>
    %swap3A_105 = arith.constant 8 : index
    %swap3A_106 = arith.constant 0 : index
    %swap3A_107 = vector.load %arg3[%swap3A_105, %swap3A_106] : memref<32x256xi32, #tpu.memory_space<vmem>>, vector<1x256xi32>
    tpu.vector_store %arg3[%swap3A_105, %swap3A_106], %broadcast_in_dim3A_104 {strides = array<i32>} : memref<32x256xi32, #tpu.memory_space<vmem>>, vector<1x256xi32>,
    %eq3A_108 = vector.broadcast %broadcast_in_dim3A_104 : vector<1x256xi32> to vector<4096x256xi32>
    %eq3A_109 = arith.cmpi eq, %iota3A, %eq3A_108 : vector<4096x256xi32>
    %jit3A_110 = arith.constant 0x7F800000 : f32
    %broadcast_in_dim3A_111 = vector.broadcast %jit3A_110 : f32 to vector<4096x256xf32>
    %select_n3A_112 = arith.select %eq3A_109, %broadcast_in_dim3A_111, %select_n3A_102 : vector<4096x256xi1>, vector<4096x256xf32>
    %argmin3A_113 = tpu.reduce_index %select_n3A_112 {axis = 0 : i32, kind = #tpu.reduction_kind<arg_min>} : vector<4096x256xf32> -> vector<256xi32>
    %broadcast_in_dim3A_114 = vector.shape_cast %argmin3A_113 : vector<256xi32> to vector<1x256xi32>
    %swap3A_115 = arith.constant 9 : index
    %swap3A_116 = arith.constant 0 : index
    %swap3A_117 = vector.load %arg3[%swap3A_115, %swap3A_116] : memref<32x256xi32, #tpu.memory_space<vmem>>, vector<1x256xi32>
    tpu.vector_store %arg3[%swap3A_115, %swap3A_116], %broadcast_in_dim3A_114 {strides = array<i32>} : memref<32x256xi32, #tpu.memory_space<vmem>>, vector<1x256xi32>,
    %eq3A_118 = vector.broadcast %broadcast_in_dim3A_114 : vector<1x256xi32> to vector<4096x256xi32>
    %eq3A_119 = arith.cmpi eq, %iota3A, %eq3A_118 : vector<4096x256xi32>
    %jit3A_120 = arith.constant 0x7F800000 : f32
    %broadcast_in_dim3A_121 = vector.broadcast %jit3A_120 : f32 to vector<4096x256xf32>
    %select_n3A_122 = arith.select %eq3A_119, %broadcast_in_dim3A_121, %select_n3A_112 : vector<4096x256xi1>, vector<4096x256xf32>
    %argmin3A_123 = tpu.reduce_index %select_n3A_122 {axis = 0 : i32, kind = #tpu.reduction_kind<arg_min>} : vector<4096x256xf32> -> vector<256xi32>
    %broadcast_in_dim3A_124 = vector.shape_cast %argmin3A_123 : vector<256xi32> to vector<1x256xi32>
    %swap3A_125 = arith.constant 10 : index
    %swap3A_126 = arith.constant 0 : index
    %swap3A_127 = vector.load %arg3[%swap3A_125, %swap3A_126] : memref<32x256xi32, #tpu.memory_space<vmem>>, vector<1x256xi32>
    tpu.vector_store %arg3[%swap3A_125, %swap3A_126], %broadcast_in_dim3A_124 {strides = array<i32>} : memref<32x256xi32, #tpu.memory_space<vmem>>, vector<1x256xi32>,
    %eq3A_128 = vector.broadcast %broadcast_in_dim3A_124 : vector<1x256xi32> to vector<4096x256xi32>
    %eq3A_129 = arith.cmpi eq, %iota3A, %eq3A_128 : vector<4096x256xi32>
    %jit3A_130 = arith.constant 0x7F800000 : f32
    %broadcast_in_dim3A_131 = vector.broadcast %jit3A_130 : f32 to vector<4096x256xf32>
    %select_n3A_132 = arith.select %eq3A_129, %broadcast_in_dim3A_131, %select_n3A_122 : vector<4096x256xi1>, vector<4096x256xf32>
    %argmin3A_133 = tpu.reduce_index %select_n3A_132 {axis = 0 : i32, kind = #tpu.reduction_kind<arg_min>} : vector<4096x256xf32> -> vector<256xi32>
    %broadcast_in_dim3A_134 = vector.shape_cast %argmin3A_133 : vector<256xi32> to vector<1x256xi32>
    %swap3A_135 = arith.constant 11 : index
    %swap3A_136 = arith.constant 0 : index
    %swap3A_137 = vector.load %arg3[%swap3A_135, %swap3A_136] : memref<32x256xi32, #tpu.memory_space<vmem>>, vector<1x256xi32>
    tpu.vector_store %arg3[%swap3A_135, %swap3A_136], %broadcast_in_dim3A_134 {strides = array<i32>} : memref<32x256xi32, #tpu.memory_space<vmem>>, vector<1x256xi32>,
    %eq3A_138 = vector.broadcast %broadcast_in_dim3A_134 : vector<1x256xi32> to vector<4096x256xi32>
    %eq3A_139 = arith.cmpi eq, %iota3A, %eq3A_138 : vector<4096x256xi32>
    %jit3A_140 = arith.constant 0x7F800000 : f32
    %broadcast_in_dim3A_141 = vector.broadcast %jit3A_140 : f32 to vector<4096x256xf32>
    %select_n3A_142 = arith.select %eq3A_139, %broadcast_in_dim3A_141, %select_n3A_132 : vector<4096x256xi1>, vector<4096x256xf32>
    %argmin3A_143 = tpu.reduce_index %select_n3A_142 {axis = 0 : i32, kind = #tpu.reduction_kind<arg_min>} : vector<4096x256xf32> -> vector<256xi32>
    %broadcast_in_dim3A_144 = vector.shape_cast %argmin3A_143 : vector<256xi32> to vector<1x256xi32>
    %swap3A_145 = arith.constant 12 : index
    %swap3A_146 = arith.constant 0 : index
    %swap3A_147 = vector.load %arg3[%swap3A_145, %swap3A_146] : memref<32x256xi32, #tpu.memory_space<vmem>>, vector<1x256xi32>
    tpu.vector_store %arg3[%swap3A_145, %swap3A_146], %broadcast_in_dim3A_144 {strides = array<i32>} : memref<32x256xi32, #tpu.memory_space<vmem>>, vector<1x256xi32>,
    %eq3A_148 = vector.broadcast %broadcast_in_dim3A_144 : vector<1x256xi32> to vector<4096x256xi32>
    %eq3A_149 = arith.cmpi eq, %iota3A, %eq3A_148 : vector<4096x256xi32>
    %jit3A_150 = arith.constant 0x7F800000 : f32
    %broadcast_in_dim3A_151 = vector.broadcast %jit3A_150 : f32 to vector<4096x256xf32>
    %select_n3A_152 = arith.select %eq3A_149, %broadcast_in_dim3A_151, %select_n3A_142 : vector<4096x256xi1>, vector<4096x256xf32>
    %argmin3A_153 = tpu.reduce_index %select_n3A_152 {axis = 0 : i32, kind = #tpu.reduction_kind<arg_min>} : vector<4096x256xf32> -> vector<256xi32>
    %broadcast_in_dim3A_154 = vector.shape_cast %argmin3A_153 : vector<256xi32> to vector<1x256xi32>
    %swap3A_155 = arith.constant 13 : index
    %swap3A_156 = arith.constant 0 : index
    %swap3A_157 = vector.load %arg3[%swap3A_155, %swap3A_156] : memref<32x256xi32, #tpu.memory_space<vmem>>, vector<1x256xi32>
    tpu.vector_store %arg3[%swap3A_155, %swap3A_156], %broadcast_in_dim3A_154 {strides = array<i32>} : memref<32x256xi32, #tpu.memory_space<vmem>>, vector<1x256xi32>,
    %eq3A_158 = vector.broadcast %broadcast_in_dim3A_154 : vector<1x256xi32> to vector<4096x256xi32>
    %eq3A_159 = arith.cmpi eq, %iota3A, %eq3A_158 : vector<4096x256xi32>
    %jit3A_160 = arith.constant 0x7F800000 : f32
    %broadcast_in_dim3A_161 = vector.broadcast %jit3A_160 : f32 to vector<4096x256xf32>
    %select_n3A_162 = arith.select %eq3A_159, %broadcast_in_dim3A_161, %select_n3A_152 : vector<4096x256xi1>, vector<4096x256xf32>
    %argmin3A_163 = tpu.reduce_index %select_n3A_162 {axis = 0 : i32, kind = #tpu.reduction_kind<arg_min>} : vector<4096x256xf32> -> vector<256xi32>
    %broadcast_in_dim3A_164 = vector.shape_cast %argmin3A_163 : vector<256xi32> to vector<1x256xi32>
    %swap3A_165 = arith.constant 14 : index
    %swap3A_166 = arith.constant 0 : index
    %swap3A_167 = vector.load %arg3[%swap3A_165, %swap3A_166] : memref<32x256xi32, #tpu.memory_space<vmem>>, vector<1x256xi32>
    tpu.vector_store %arg3[%swap3A_165, %swap3A_166], %broadcast_in_dim3A_164 {strides = array<i32>} : memref<32x256xi32, #tpu.memory_space<vmem>>, vector<1x256xi32>,
    %eq3A_168 = vector.broadcast %broadcast_in_dim3A_164 : vector<1x256xi32> to vector<4096x256xi32>
    %eq3A_169 = arith.cmpi eq, %iota3A, %eq3A_168 : vector<4096x256xi32>
    %jit3A_170 = arith.constant 0x7F800000 : f32
    %broadcast_in_dim3A_171 = vector.broadcast %jit3A_170 : f32 to vector<4096x256xf32>
    %select_n3A_172 = arith.select %eq3A_169, %broadcast_in_dim3A_171, %select_n3A_162 : vector<4096x256xi1>, vector<4096x256xf32>
    %argmin3A_173 = tpu.reduce_index %select_n3A_172 {axis = 0 : i32, kind = #tpu.reduction_kind<arg_min>} : vector<4096x256xf32> -> vector<256xi32>
    %broadcast_in_dim3A_174 = vector.shape_cast %argmin3A_173 : vector<256xi32> to vector<1x256xi32>
    %swap3A_175 = arith.constant 15 : index
    %swap3A_176 = arith.constant 0 : index
    %swap3A_177 = vector.load %arg3[%swap3A_175, %swap3A_176] : memref<32x256xi32, #tpu.memory_space<vmem>>, vector<1x256xi32>
    tpu.vector_store %arg3[%swap3A_175, %swap3A_176], %broadcast_in_dim3A_174 {strides = array<i32>} : memref<32x256xi32, #tpu.memory_space<vmem>>, vector<1x256xi32>,
    %eq3A_178 = vector.broadcast %broadcast_in_dim3A_174 : vector<1x256xi32> to vector<4096x256xi32>
    %eq3A_179 = arith.cmpi eq, %iota3A, %eq3A_178 : vector<4096x256xi32>
    %jit3A_180 = arith.constant 0x7F800000 : f32
    %broadcast_in_dim3A_181 = vector.broadcast %jit3A_180 : f32 to vector<4096x256xf32>
    %select_n3A_182 = arith.select %eq3A_179, %broadcast_in_dim3A_181, %select_n3A_172 : vector<4096x256xi1>, vector<4096x256xf32>
    %argmin3A_183 = tpu.reduce_index %select_n3A_182 {axis = 0 : i32, kind = #tpu.reduction_kind<arg_min>} : vector<4096x256xf32> -> vector<256xi32>
    %broadcast_in_dim3A_184 = vector.shape_cast %argmin3A_183 : vector<256xi32> to vector<1x256xi32>
    %swap3A_185 = arith.constant 16 : index
    %swap3A_186 = arith.constant 0 : index
    %swap3A_187 = vector.load %arg3[%swap3A_185, %swap3A_186] : memref<32x256xi32, #tpu.memory_space<vmem>>, vector<1x256xi32>
    tpu.vector_store %arg3[%swap3A_185, %swap3A_186], %broadcast_in_dim3A_184 {strides = array<i32>} : memref<32x256xi32, #tpu.memory_space<vmem>>, vector<1x256xi32>,
    %eq3A_188 = vector.broadcast %broadcast_in_dim3A_184 : vector<1x256xi32> to vector<4096x256xi32>
    %eq3A_189 = arith.cmpi eq, %iota3A, %eq3A_188 : vector<4096x256xi32>
    %jit3A_190 = arith.constant 0x7F800000 : f32
    %broadcast_in_dim3A_191 = vector.broadcast %jit3A_190 : f32 to vector<4096x256xf32>
    %select_n3A_192 = arith.select %eq3A_189, %broadcast_in_dim3A_191, %select_n3A_182 : vector<4096x256xi1>, vector<4096x256xf32>
    %argmin3A_193 = tpu.reduce_index %select_n3A_192 {axis = 0 : i32, kind = #tpu.reduction_kind<arg_min>} : vector<4096x256xf32> -> vector<256xi32>
    %broadcast_in_dim3A_194 = vector.shape_cast %argmin3A_193 : vector<256xi32> to vector<1x256xi32>
    %swap3A_195 = arith.constant 17 : index
    %swap3A_196 = arith.constant 0 : index
    %swap3A_197 = vector.load %arg3[%swap3A_195, %swap3A_196] : memref<32x256xi32, #tpu.memory_space<vmem>>, vector<1x256xi32>
    tpu.vector_store %arg3[%swap3A_195, %swap3A_196], %broadcast_in_dim3A_194 {strides = array<i32>} : memref<32x256xi32, #tpu.memory_space<vmem>>, vector<1x256xi32>,
    %eq3A_198 = vector.broadcast %broadcast_in_dim3A_194 : vector<1x256xi32> to vector<4096x256xi32>
    %eq3A_199 = arith.cmpi eq, %iota3A, %eq3A_198 : vector<4096x256xi32>
    %jit3A_200 = arith.constant 0x7F800000 : f32
    %broadcast_in_dim3A_201 = vector.broadcast %jit3A_200 : f32 to vector<4096x256xf32>
    %select_n3A_202 = arith.select %eq3A_199, %broadcast_in_dim3A_201, %select_n3A_192 : vector<4096x256xi1>, vector<4096x256xf32>
    %argmin3A_203 = tpu.reduce_index %select_n3A_202 {axis = 0 : i32, kind = #tpu.reduction_kind<arg_min>} : vector<4096x256xf32> -> vector<256xi32>
    %broadcast_in_dim3A_204 = vector.shape_cast %argmin3A_203 : vector<256xi32> to vector<1x256xi32>
    %swap3A_205 = arith.constant 18 : index
    %swap3A_206 = arith.constant 0 : index
    %swap3A_207 = vector.load %arg3[%swap3A_205, %swap3A_206] : memref<32x256xi32, #tpu.memory_space<vmem>>, vector<1x256xi32>
    tpu.vector_store %arg3[%swap3A_205, %swap3A_206], %broadcast_in_dim3A_204 {strides = array<i32>} : memref<32x256xi32, #tpu.memory_space<vmem>>, vector<1x256xi32>,
    %eq3A_208 = vector.broadcast %broadcast_in_dim3A_204 : vector<1x256xi32> to vector<4096x256xi32>
    %eq3A_209 = arith.cmpi eq, %iota3A, %eq3A_208 : vector<4096x256xi32>
    %jit3A_210 = arith.constant 0x7F800000 : f32
    %broadcast_in_dim3A_211 = vector.broadcast %jit3A_210 : f32 to vector<4096x256xf32>
    %select_n3A_212 = arith.select %eq3A_209, %broadcast_in_dim3A_211, %select_n3A_202 : vector<4096x256xi1>, vector<4096x256xf32>
    %argmin3A_213 = tpu.reduce_index %select_n3A_212 {axis = 0 : i32, kind = #tpu.reduction_kind<arg_min>} : vector<4096x256xf32> -> vector<256xi32>
    %broadcast_in_dim3A_214 = vector.shape_cast %argmin3A_213 : vector<256xi32> to vector<1x256xi32>
    %swap3A_215 = arith.constant 19 : index
    %swap3A_216 = arith.constant 0 : index
    %swap3A_217 = vector.load %arg3[%swap3A_215, %swap3A_216] : memref<32x256xi32, #tpu.memory_space<vmem>>, vector<1x256xi32>
    tpu.vector_store %arg3[%swap3A_215, %swap3A_216], %broadcast_in_dim3A_214 {strides = array<i32>} : memref<32x256xi32, #tpu.memory_space<vmem>>, vector<1x256xi32>,
    %eq3A_218 = vector.broadcast %broadcast_in_dim3A_214 : vector<1x256xi32> to vector<4096x256xi32>
    %eq3A_219 = arith.cmpi eq, %iota3A, %eq3A_218 : vector<4096x256xi32>
    %jit3A_220 = arith.constant 0x7F800000 : f32
    %broadcast_in_dim3A_221 = vector.broadcast %jit3A_220 : f32 to vector<4096x256xf32>
    %select_n3A_222 = arith.select %eq3A_219, %broadcast_in_dim3A_221, %select_n3A_212 : vector<4096x256xi1>, vector<4096x256xf32>
    %argmin3A_223 = tpu.reduce_index %select_n3A_222 {axis = 0 : i32, kind = #tpu.reduction_kind<arg_min>} : vector<4096x256xf32> -> vector<256xi32>
    %broadcast_in_dim3A_224 = vector.shape_cast %argmin3A_223 : vector<256xi32> to vector<1x256xi32>
    %swap3A_225 = arith.constant 20 : index
    %swap3A_226 = arith.constant 0 : index
    %swap3A_227 = vector.load %arg3[%swap3A_225, %swap3A_226] : memref<32x256xi32, #tpu.memory_space<vmem>>, vector<1x256xi32>
    tpu.vector_store %arg3[%swap3A_225, %swap3A_226], %broadcast_in_dim3A_224 {strides = array<i32>} : memref<32x256xi32, #tpu.memory_space<vmem>>, vector<1x256xi32>,
    %eq3A_228 = vector.broadcast %broadcast_in_dim3A_224 : vector<1x256xi32> to vector<4096x256xi32>
    %eq3A_229 = arith.cmpi eq, %iota3A, %eq3A_228 : vector<4096x256xi32>
    %jit3A_230 = arith.constant 0x7F800000 : f32
    %broadcast_in_dim3A_231 = vector.broadcast %jit3A_230 : f32 to vector<4096x256xf32>
    %select_n3A_232 = arith.select %eq3A_229, %broadcast_in_dim3A_231, %select_n3A_222 : vector<4096x256xi1>, vector<4096x256xf32>
    %argmin3A_233 = tpu.reduce_index %select_n3A_232 {axis = 0 : i32, kind = #tpu.reduction_kind<arg_min>} : vector<4096x256xf32> -> vector<256xi32>
    %broadcast_in_dim3A_234 = vector.shape_cast %argmin3A_233 : vector<256xi32> to vector<1x256xi32>
    %swap3A_235 = arith.constant 21 : index
    %swap3A_236 = arith.constant 0 : index
    %swap3A_237 = vector.load %arg3[%swap3A_235, %swap3A_236] : memref<32x256xi32, #tpu.memory_space<vmem>>, vector<1x256xi32>
    tpu.vector_store %arg3[%swap3A_235, %swap3A_236], %broadcast_in_dim3A_234 {strides = array<i32>} : memref<32x256xi32, #tpu.memory_space<vmem>>, vector<1x256xi32>,
    %eq3A_238 = vector.broadcast %broadcast_in_dim3A_234 : vector<1x256xi32> to vector<4096x256xi32>
    %eq3A_239 = arith.cmpi eq, %iota3A, %eq3A_238 : vector<4096x256xi32>
    %jit3A_240 = arith.constant 0x7F800000 : f32
    %broadcast_in_dim3A_241 = vector.broadcast %jit3A_240 : f32 to vector<4096x256xf32>
    %select_n3A_242 = arith.select %eq3A_239, %broadcast_in_dim3A_241, %select_n3A_232 : vector<4096x256xi1>, vector<4096x256xf32>
    %argmin3A_243 = tpu.reduce_index %select_n3A_242 {axis = 0 : i32, kind = #tpu.reduction_kind<arg_min>} : vector<4096x256xf32> -> vector<256xi32>
    %broadcast_in_dim3A_244 = vector.shape_cast %argmin3A_243 : vector<256xi32> to vector<1x256xi32>
    %swap3A_245 = arith.constant 22 : index
    %swap3A_246 = arith.constant 0 : index
    %swap3A_247 = vector.load %arg3[%swap3A_245, %swap3A_246] : memref<32x256xi32, #tpu.memory_space<vmem>>, vector<1x256xi32>
    tpu.vector_store %arg3[%swap3A_245, %swap3A_246], %broadcast_in_dim3A_244 {strides = array<i32>} : memref<32x256xi32, #tpu.memory_space<vmem>>, vector<1x256xi32>,
    %eq3A_248 = vector.broadcast %broadcast_in_dim3A_244 : vector<1x256xi32> to vector<4096x256xi32>
    %eq3A_249 = arith.cmpi eq, %iota3A, %eq3A_248 : vector<4096x256xi32>
    %jit3A_250 = arith.constant 0x7F800000 : f32
    %broadcast_in_dim3A_251 = vector.broadcast %jit3A_250 : f32 to vector<4096x256xf32>
    %select_n3A_252 = arith.select %eq3A_249, %broadcast_in_dim3A_251, %select_n3A_242 : vector<4096x256xi1>, vector<4096x256xf32>
    %argmin3A_253 = tpu.reduce_index %select_n3A_252 {axis = 0 : i32, kind = #tpu.reduction_kind<arg_min>} : vector<4096x256xf32> -> vector<256xi32>
    %broadcast_in_dim3A_254 = vector.shape_cast %argmin3A_253 : vector<256xi32> to vector<1x256xi32>
    %swap3A_255 = arith.constant 23 : index
    %swap3A_256 = arith.constant 0 : index
    %swap3A_257 = vector.load %arg3[%swap3A_255, %swap3A_256] : memref<32x256xi32, #tpu.memory_space<vmem>>, vector<1x256xi32>
    tpu.vector_store %arg3[%swap3A_255, %swap3A_256], %broadcast_in_dim3A_254 {strides = array<i32>} : memref<32x256xi32, #tpu.memory_space<vmem>>, vector<1x256xi32>,
    %eq3A_258 = vector.broadcast %broadcast_in_dim3A_254 : vector<1x256xi32> to vector<4096x256xi32>
    %eq3A_259 = arith.cmpi eq, %iota3A, %eq3A_258 : vector<4096x256xi32>
    %jit3A_260 = arith.constant 0x7F800000 : f32
    %broadcast_in_dim3A_261 = vector.broadcast %jit3A_260 : f32 to vector<4096x256xf32>
    %select_n3A_262 = arith.select %eq3A_259, %broadcast_in_dim3A_261, %select_n3A_252 : vector<4096x256xi1>, vector<4096x256xf32>
    %argmin3A_263 = tpu.reduce_index %select_n3A_262 {axis = 0 : i32, kind = #tpu.reduction_kind<arg_min>} : vector<4096x256xf32> -> vector<256xi32>
    %broadcast_in_dim3A_264 = vector.shape_cast %argmin3A_263 : vector<256xi32> to vector<1x256xi32>
    %swap3A_265 = arith.constant 24 : index
    %swap3A_266 = arith.constant 0 : index
    %swap3A_267 = vector.load %arg3[%swap3A_265, %swap3A_266] : memref<32x256xi32, #tpu.memory_space<vmem>>, vector<1x256xi32>
    tpu.vector_store %arg3[%swap3A_265, %swap3A_266], %broadcast_in_dim3A_264 {strides = array<i32>} : memref<32x256xi32, #tpu.memory_space<vmem>>, vector<1x256xi32>,
    %eq3A_268 = vector.broadcast %broadcast_in_dim3A_264 : vector<1x256xi32> to vector<4096x256xi32>
    %eq3A_269 = arith.cmpi eq, %iota3A, %eq3A_268 : vector<4096x256xi32>
    %jit3A_270 = arith.constant 0x7F800000 : f32
    %broadcast_in_dim3A_271 = vector.broadcast %jit3A_270 : f32 to vector<4096x256xf32>
    %select_n3A_272 = arith.select %eq3A_269, %broadcast_in_dim3A_271, %select_n3A_262 : vector<4096x256xi1>, vector<4096x256xf32>
    %argmin3A_273 = tpu.reduce_index %select_n3A_272 {axis = 0 : i32, kind = #tpu.reduction_kind<arg_min>} : vector<4096x256xf32> -> vector<256xi32>
    %broadcast_in_dim3A_274 = vector.shape_cast %argmin3A_273 : vector<256xi32> to vector<1x256xi32>
    %swap3A_275 = arith.constant 25 : index
    %swap3A_276 = arith.constant 0 : index
    %swap3A_277 = vector.load %arg3[%swap3A_275, %swap3A_276] : memref<32x256xi32, #tpu.memory_space<vmem>>, vector<1x256xi32>
    tpu.vector_store %arg3[%swap3A_275, %swap3A_276], %broadcast_in_dim3A_274 {strides = array<i32>} : memref<32x256xi32, #tpu.memory_space<vmem>>, vector<1x256xi32>,
    %eq3A_278 = vector.broadcast %broadcast_in_dim3A_274 : vector<1x256xi32> to vector<4096x256xi32>
    %eq3A_279 = arith.cmpi eq, %iota3A, %eq3A_278 : vector<4096x256xi32>
    %jit3A_280 = arith.constant 0x7F800000 : f32
    %broadcast_in_dim3A_281 = vector.broadcast %jit3A_280 : f32 to vector<4096x256xf32>
    %select_n3A_282 = arith.select %eq3A_279, %broadcast_in_dim3A_281, %select_n3A_272 : vector<4096x256xi1>, vector<4096x256xf32>
    %argmin3A_283 = tpu.reduce_index %select_n3A_282 {axis = 0 : i32, kind = #tpu.reduction_kind<arg_min>} : vector<4096x256xf32> -> vector<256xi32>
    %broadcast_in_dim3A_284 = vector.shape_cast %argmin3A_283 : vector<256xi32> to vector<1x256xi32>
    %swap3A_285 = arith.constant 26 : index
    %swap3A_286 = arith.constant 0 : index
    %swap3A_287 = vector.load %arg3[%swap3A_285, %swap3A_286] : memref<32x256xi32, #tpu.memory_space<vmem>>, vector<1x256xi32>
    tpu.vector_store %arg3[%swap3A_285, %swap3A_286], %broadcast_in_dim3A_284 {strides = array<i32>} : memref<32x256xi32, #tpu.memory_space<vmem>>, vector<1x256xi32>,
    %eq3A_288 = vector.broadcast %broadcast_in_dim3A_284 : vector<1x256xi32> to vector<4096x256xi32>
    %eq3A_289 = arith.cmpi eq, %iota3A, %eq3A_288 : vector<4096x256xi32>
    %jit3A_290 = arith.constant 0x7F800000 : f32
    %broadcast_in_dim3A_291 = vector.broadcast %jit3A_290 : f32 to vector<4096x256xf32>
    %select_n3A_292 = arith.select %eq3A_289, %broadcast_in_dim3A_291, %select_n3A_282 : vector<4096x256xi1>, vector<4096x256xf32>
    %argmin3A_293 = tpu.reduce_index %select_n3A_292 {axis = 0 : i32, kind = #tpu.reduction_kind<arg_min>} : vector<4096x256xf32> -> vector<256xi32>
    %broadcast_in_dim3A_294 = vector.shape_cast %argmin3A_293 : vector<256xi32> to vector<1x256xi32>
    %swap3A_295 = arith.constant 27 : index
    %swap3A_296 = arith.constant 0 : index
    %swap3A_297 = vector.load %arg3[%swap3A_295, %swap3A_296] : memref<32x256xi32, #tpu.memory_space<vmem>>, vector<1x256xi32>
    tpu.vector_store %arg3[%swap3A_295, %swap3A_296], %broadcast_in_dim3A_294 {strides = array<i32>} : memref<32x256xi32, #tpu.memory_space<vmem>>, vector<1x256xi32>,
    %eq3A_298 = vector.broadcast %broadcast_in_dim3A_294 : vector<1x256xi32> to vector<4096x256xi32>
    %eq3A_299 = arith.cmpi eq, %iota3A, %eq3A_298 : vector<4096x256xi32>
    %jit3A_300 = arith.constant 0x7F800000 : f32
    %broadcast_in_dim3A_301 = vector.broadcast %jit3A_300 : f32 to vector<4096x256xf32>
    %select_n3A_302 = arith.select %eq3A_299, %broadcast_in_dim3A_301, %select_n3A_292 : vector<4096x256xi1>, vector<4096x256xf32>
    %argmin3A_303 = tpu.reduce_index %select_n3A_302 {axis = 0 : i32, kind = #tpu.reduction_kind<arg_min>} : vector<4096x256xf32> -> vector<256xi32>
    %broadcast_in_dim3A_304 = vector.shape_cast %argmin3A_303 : vector<256xi32> to vector<1x256xi32>
    %swap3A_305 = arith.constant 28 : index
    %swap3A_306 = arith.constant 0 : index
    %swap3A_307 = vector.load %arg3[%swap3A_305, %swap3A_306] : memref<32x256xi32, #tpu.memory_space<vmem>>, vector<1x256xi32>
    tpu.vector_store %arg3[%swap3A_305, %swap3A_306], %broadcast_in_dim3A_304 {strides = array<i32>} : memref<32x256xi32, #tpu.memory_space<vmem>>, vector<1x256xi32>,
    %eq3A_308 = vector.broadcast %broadcast_in_dim3A_304 : vector<1x256xi32> to vector<4096x256xi32>
    %eq3A_309 = arith.cmpi eq, %iota3A, %eq3A_308 : vector<4096x256xi32>
    %jit3A_310 = arith.constant 0x7F800000 : f32
    %broadcast_in_dim3A_311 = vector.broadcast %jit3A_310 : f32 to vector<4096x256xf32>
    %select_n3A_312 = arith.select %eq3A_309, %broadcast_in_dim3A_311, %select_n3A_302 : vector<4096x256xi1>, vector<4096x256xf32>
    %argmin3A_313 = tpu.reduce_index %select_n3A_312 {axis = 0 : i32, kind = #tpu.reduction_kind<arg_min>} : vector<4096x256xf32> -> vector<256xi32>
    %broadcast_in_dim3A_314 = vector.shape_cast %argmin3A_313 : vector<256xi32> to vector<1x256xi32>
    %swap3A_315 = arith.constant 29 : index
    %swap3A_316 = arith.constant 0 : index
    %swap3A_317 = vector.load %arg3[%swap3A_315, %swap3A_316] : memref<32x256xi32, #tpu.memory_space<vmem>>, vector<1x256xi32>
    tpu.vector_store %arg3[%swap3A_315, %swap3A_316], %broadcast_in_dim3A_314 {strides = array<i32>} : memref<32x256xi32, #tpu.memory_space<vmem>>, vector<1x256xi32>,
    %eq3A_318 = vector.broadcast %broadcast_in_dim3A_314 : vector<1x256xi32> to vector<4096x256xi32>
    %eq3A_319 = arith.cmpi eq, %iota3A, %eq3A_318 : vector<4096x256xi32>
    %jit3A_320 = arith.constant 0x7F800000 : f32
    %broadcast_in_dim3A_321 = vector.broadcast %jit3A_320 : f32 to vector<4096x256xf32>
    %select_n3A_322 = arith.select %eq3A_319, %broadcast_in_dim3A_321, %select_n3A_312 : vector<4096x256xi1>, vector<4096x256xf32>
    %argmin3A_323 = tpu.reduce_index %select_n3A_322 {axis = 0 : i32, kind = #tpu.reduction_kind<arg_min>} : vector<4096x256xf32> -> vector<256xi32>
    %broadcast_in_dim3A_324 = vector.shape_cast %argmin3A_323 : vector<256xi32> to vector<1x256xi32>
    %swap3A_325 = arith.constant 30 : index
    %swap3A_326 = arith.constant 0 : index
    %swap3A_327 = vector.load %arg3[%swap3A_325, %swap3A_326] : memref<32x256xi32, #tpu.memory_space<vmem>>, vector<1x256xi32>
    tpu.vector_store %arg3[%swap3A_325, %swap3A_326], %broadcast_in_dim3A_324 {strides = array<i32>} : memref<32x256xi32, #tpu.memory_space<vmem>>, vector<1x256xi32>,
    %eq3A_328 = vector.broadcast %broadcast_in_dim3A_324 : vector<1x256xi32> to vector<4096x256xi32>
    %eq3A_329 = arith.cmpi eq, %iota3A, %eq3A_328 : vector<4096x256xi32>
    %jit3A_330 = arith.constant 0x7F800000 : f32
    %broadcast_in_dim3A_331 = vector.broadcast %jit3A_330 : f32 to vector<4096x256xf32>
    %select_n3A_332 = arith.select %eq3A_329, %broadcast_in_dim3A_331, %select_n3A_322 : vector<4096x256xi1>, vector<4096x256xf32>
    %argmin3A_333 = tpu.reduce_index %select_n3A_332 {axis = 0 : i32, kind = #tpu.reduction_kind<arg_min>} : vector<4096x256xf32> -> vector<256xi32>
    %broadcast_in_dim3A_334 = vector.shape_cast %argmin3A_333 : vector<256xi32> to vector<1x256xi32>
    %swap3A_335 = arith.constant 31 : index
    %swap3A_336 = arith.constant 0 : index
    %swap3A_337 = vector.load %arg3[%swap3A_335, %swap3A_336] : memref<32x256xi32, #tpu.memory_space<vmem>>, vector<1x256xi32>
    tpu.vector_store %arg3[%swap3A_335, %swap3A_336], %broadcast_in_dim3A_334 {strides = array<i32>} : memref<32x256xi32, #tpu.memory_space<vmem>>, vector<1x256xi32>,
    return
  }
  func.func @transform_0(%arg0: i32) -> (i32, i32) {
    %c0_i32 = arith.constant 0 : i32
    %c0_i32_0 = arith.constant 0 : i32
    %c0_i32_1 = arith.constant 0 : i32
    return %c0_i32, %c0_i32_0 : i32, i32
  }
  func.func @transform_1(%arg0: i32) -> (i32, i32) {
    %c0_i32 = arith.constant 0 : i32
    %c0_i32_0 = arith.constant 0 : i32
    %c0_i32_1 = arith.constant 0 : i32
    return %c0_i32, %c0_i32_0 : i32, i32
  }
  func.func @transform_2(%arg0: i32) -> (i32, i32) {
    %c0_i32 = arith.constant 0 : i32
    %c0_i32_0 = arith.constant 0 : i32
    return %arg0, %c0_i32 : i32, i32
  }
}

module attributes {stable_mosaic.version = 14 : i64} {
  func.func @body(%arg0: i32, %arg1: memref<4096x4xf32, #tpu.memory_space<vmem>>, %arg2: memref<4x4096xf32, #tpu.memory_space<vmem>>, %arg3: memref<32x256xi32, #tpu.memory_space<vmem>>) attributes {dimension_semantics = [#tpu.dimension_semantics<arbitrary>], iteration_bounds = array<i64: 8>, scalar_prefetch = 0 : i64, scratch_operands = 0 : i64, tpu.core_type = #tpu.core_type<tc>, window_params = [{pipeline_mode = #tpu.pipeline_mode<synchronous>, transform_indices = @transform_0, window_bounds = array<i64: 4096, 4>}, {pipeline_mode = #tpu.pipeline_mode<synchronous>, transform_indices = @transform_1, window_bounds = array<i64: 4, 4096>}, {transform_indices = @transform_2, window_bounds = array<i64: 32, 256>}]} {
    %add3A = arith.constant 8 : i32
    %add3A_0 = arith.addi %arg0, %add3A : i32
    %get3A = arith.constant 0 : index
    %get3A_1 = arith.constant 0 : index
    %get3A_2 = vector.load %arg1[%get3A, %get3A_1] : memref<4096x4xf32, #tpu.memory_space<vmem>>, vector<4096x1xf32>
    %get3A_3 = arith.constant 0 : index
    %get3A_4 = arith.constant 1 : index
    %get3A_5 = vector.load %arg1[%get3A_3, %get3A_4] : memref<4096x4xf32, #tpu.memory_space<vmem>>, vector<4096x1xf32>
    %mul3A = arith.constant 256 : i32
    %mul3A_6 = arith.muli %add3A_0, %mul3A : i32
    %get3A_7 = arith.constant 0 : index
    %get3A_8 = arith.index_cast %mul3A_6 : i32 to index
    %get3A_9 = vector.load %arg2[%get3A_7, %get3A_8] : memref<4x4096xf32, #tpu.memory_space<vmem>>, vector<1x256xf32>
    %mul3A_10 = arith.constant 256 : i32
    %mul3A_11 = arith.muli %add3A_0, %mul3A_10 : i32
    %get3A_12 = arith.constant 1 : index
    %get3A_13 = arith.index_cast %mul3A_11 : i32 to index
    %get3A_14 = vector.load %arg2[%get3A_12, %get3A_13] : memref<4x4096xf32, #tpu.memory_space<vmem>>, vector<1x256xf32>
    %sub3A = vector.broadcast %get3A_2 : vector<4096x1xf32> to vector<4096x256xf32>
    %sub3A_15 = vector.broadcast %get3A_9 : vector<1x256xf32> to vector<4096x256xf32>
    %sub3A_16 = arith.subf %sub3A, %sub3A_15 : vector<4096x256xf32>
    %sub3A_17 = vector.broadcast %get3A_5 : vector<4096x1xf32> to vector<4096x256xf32>
    %sub3A_18 = vector.broadcast %get3A_14 : vector<1x256xf32> to vector<4096x256xf32>
    %sub3A_19 = arith.subf %sub3A_17, %sub3A_18 : vector<4096x256xf32>
    %mul3A_20 = arith.mulf %sub3A_16, %sub3A_16 : vector<4096x256xf32>
    %add3A_21 = arith.constant 9.99999997E-7 : f32
    %add3A_22 = vector.broadcast %add3A_21 : f32 to vector<4096x256xf32>
    %add3A_23 = arith.addf %mul3A_20, %add3A_22 : vector<4096x256xf32>
    %mul3A_24 = arith.mulf %sub3A_19, %sub3A_19 : vector<4096x256xf32>
    %add3A_25 = arith.constant 9.99999997E-7 : f32
    %add3A_26 = vector.broadcast %add3A_25 : f32 to vector<4096x256xf32>
    %add3A_27 = arith.addf %mul3A_24, %add3A_26 : vector<4096x256xf32>
    %add3A_28 = arith.addf %add3A_23, %add3A_27 : vector<4096x256xf32>
    %sqrt3A = math.sqrt %add3A_28 : vector<4096x256xf32>
    %iota3A = tpu.iota {dimensions = array<i32: 0>} : vector<4096x256xi32>
    %argmin3A = tpu.reduce_index %sqrt3A {axis = 0 : i32, kind = #tpu.reduction_kind<arg_min>} : vector<4096x256xf32> -> vector<256xi32>
    %broadcast_in_dim3A = vector.shape_cast %argmin3A : vector<256xi32> to vector<1x256xi32>
    %swap3A = arith.constant 0 : index
    %swap3A_29 = arith.constant 0 : index
    %swap3A_30 = vector.load %arg3[%swap3A, %swap3A_29] : memref<32x256xi32, #tpu.memory_space<vmem>>, vector<1x256xi32>
    tpu.vector_store %arg3[%swap3A, %swap3A_29], %broadcast_in_dim3A {strides = array<i32>} : memref<32x256xi32, #tpu.memory_space<vmem>>, vector<1x256xi32>,
    %eq3A = vector.broadcast %broadcast_in_dim3A : vector<1x256xi32> to vector<4096x256xi32>
    %eq3A_31 = arith.cmpi eq, %iota3A, %eq3A : vector<4096x256xi32>
    %jit3A = arith.constant 0x7F800000 : f32
    %broadcast_in_dim3A_32 = vector.broadcast %jit3A : f32 to vector<4096x256xf32>
    %select_n3A = arith.select %eq3A_31, %broadcast_in_dim3A_32, %sqrt3A : vector<4096x256xi1>, vector<4096x256xf32>
    %argmin3A_33 = tpu.reduce_index %select_n3A {axis = 0 : i32, kind = #tpu.reduction_kind<arg_min>} : vector<4096x256xf32> -> vector<256xi32>
    %broadcast_in_dim3A_34 = vector.shape_cast %argmin3A_33 : vector<256xi32> to vector<1x256xi32>
    %swap3A_35 = arith.constant 1 : index
    %swap3A_36 = arith.constant 0 : index
    %swap3A_37 = vector.load %arg3[%swap3A_35, %swap3A_36] : memref<32x256xi32, #tpu.memory_space<vmem>>, vector<1x256xi32>
    tpu.vector_store %arg3[%swap3A_35, %swap3A_36], %broadcast_in_dim3A_34 {strides = array<i32>} : memref<32x256xi32, #tpu.memory_space<vmem>>, vector<1x256xi32>,
    %eq3A_38 = vector.broadcast %broadcast_in_dim3A_34 : vector<1x256xi32> to vector<4096x256xi32>
    %eq3A_39 = arith.cmpi eq, %iota3A, %eq3A_38 : vector<4096x256xi32>
    %jit3A_40 = arith.constant 0x7F800000 : f32
    %broadcast_in_dim3A_41 = vector.broadcast %jit3A_40 : f32 to vector<4096x256xf32>
    %select_n3A_42 = arith.select %eq3A_39, %broadcast_in_dim3A_41, %select_n3A : vector<4096x256xi1>, vector<4096x256xf32>
    %argmin3A_43 = tpu.reduce_index %select_n3A_42 {axis = 0 : i32, kind = #tpu.reduction_kind<arg_min>} : vector<4096x256xf32> -> vector<256xi32>
    %broadcast_in_dim3A_44 = vector.shape_cast %argmin3A_43 : vector<256xi32> to vector<1x256xi32>
    %swap3A_45 = arith.constant 2 : index
    %swap3A_46 = arith.constant 0 : index
    %swap3A_47 = vector.load %arg3[%swap3A_45, %swap3A_46] : memref<32x256xi32, #tpu.memory_space<vmem>>, vector<1x256xi32>
    tpu.vector_store %arg3[%swap3A_45, %swap3A_46], %broadcast_in_dim3A_44 {strides = array<i32>} : memref<32x256xi32, #tpu.memory_space<vmem>>, vector<1x256xi32>,
    %eq3A_48 = vector.broadcast %broadcast_in_dim3A_44 : vector<1x256xi32> to vector<4096x256xi32>
    %eq3A_49 = arith.cmpi eq, %iota3A, %eq3A_48 : vector<4096x256xi32>
    %jit3A_50 = arith.constant 0x7F800000 : f32
    %broadcast_in_dim3A_51 = vector.broadcast %jit3A_50 : f32 to vector<4096x256xf32>
    %select_n3A_52 = arith.select %eq3A_49, %broadcast_in_dim3A_51, %select_n3A_42 : vector<4096x256xi1>, vector<4096x256xf32>
    %argmin3A_53 = tpu.reduce_index %select_n3A_52 {axis = 0 : i32, kind = #tpu.reduction_kind<arg_min>} : vector<4096x256xf32> -> vector<256xi32>
    %broadcast_in_dim3A_54 = vector.shape_cast %argmin3A_53 : vector<256xi32> to vector<1x256xi32>
    %swap3A_55 = arith.constant 3 : index
    %swap3A_56 = arith.constant 0 : index
    %swap3A_57 = vector.load %arg3[%swap3A_55, %swap3A_56] : memref<32x256xi32, #tpu.memory_space<vmem>>, vector<1x256xi32>
    tpu.vector_store %arg3[%swap3A_55, %swap3A_56], %broadcast_in_dim3A_54 {strides = array<i32>} : memref<32x256xi32, #tpu.memory_space<vmem>>, vector<1x256xi32>,
    %eq3A_58 = vector.broadcast %broadcast_in_dim3A_54 : vector<1x256xi32> to vector<4096x256xi32>
    %eq3A_59 = arith.cmpi eq, %iota3A, %eq3A_58 : vector<4096x256xi32>
    %jit3A_60 = arith.constant 0x7F800000 : f32
    %broadcast_in_dim3A_61 = vector.broadcast %jit3A_60 : f32 to vector<4096x256xf32>
    %select_n3A_62 = arith.select %eq3A_59, %broadcast_in_dim3A_61, %select_n3A_52 : vector<4096x256xi1>, vector<4096x256xf32>
    %argmin3A_63 = tpu.reduce_index %select_n3A_62 {axis = 0 : i32, kind = #tpu.reduction_kind<arg_min>} : vector<4096x256xf32> -> vector<256xi32>
    %broadcast_in_dim3A_64 = vector.shape_cast %argmin3A_63 : vector<256xi32> to vector<1x256xi32>
    %swap3A_65 = arith.constant 4 : index
    %swap3A_66 = arith.constant 0 : index
    %swap3A_67 = vector.load %arg3[%swap3A_65, %swap3A_66] : memref<32x256xi32, #tpu.memory_space<vmem>>, vector<1x256xi32>
    tpu.vector_store %arg3[%swap3A_65, %swap3A_66], %broadcast_in_dim3A_64 {strides = array<i32>} : memref<32x256xi32, #tpu.memory_space<vmem>>, vector<1x256xi32>,
    %eq3A_68 = vector.broadcast %broadcast_in_dim3A_64 : vector<1x256xi32> to vector<4096x256xi32>
    %eq3A_69 = arith.cmpi eq, %iota3A, %eq3A_68 : vector<4096x256xi32>
    %jit3A_70 = arith.constant 0x7F800000 : f32
    %broadcast_in_dim3A_71 = vector.broadcast %jit3A_70 : f32 to vector<4096x256xf32>
    %select_n3A_72 = arith.select %eq3A_69, %broadcast_in_dim3A_71, %select_n3A_62 : vector<4096x256xi1>, vector<4096x256xf32>
    %argmin3A_73 = tpu.reduce_index %select_n3A_72 {axis = 0 : i32, kind = #tpu.reduction_kind<arg_min>} : vector<4096x256xf32> -> vector<256xi32>
    %broadcast_in_dim3A_74 = vector.shape_cast %argmin3A_73 : vector<256xi32> to vector<1x256xi32>
    %swap3A_75 = arith.constant 5 : index
    %swap3A_76 = arith.constant 0 : index
    %swap3A_77 = vector.load %arg3[%swap3A_75, %swap3A_76] : memref<32x256xi32, #tpu.memory_space<vmem>>, vector<1x256xi32>
    tpu.vector_store %arg3[%swap3A_75, %swap3A_76], %broadcast_in_dim3A_74 {strides = array<i32>} : memref<32x256xi32, #tpu.memory_space<vmem>>, vector<1x256xi32>,
    %eq3A_78 = vector.broadcast %broadcast_in_dim3A_74 : vector<1x256xi32> to vector<4096x256xi32>
    %eq3A_79 = arith.cmpi eq, %iota3A, %eq3A_78 : vector<4096x256xi32>
    %jit3A_80 = arith.constant 0x7F800000 : f32
    %broadcast_in_dim3A_81 = vector.broadcast %jit3A_80 : f32 to vector<4096x256xf32>
    %select_n3A_82 = arith.select %eq3A_79, %broadcast_in_dim3A_81, %select_n3A_72 : vector<4096x256xi1>, vector<4096x256xf32>
    %argmin3A_83 = tpu.reduce_index %select_n3A_82 {axis = 0 : i32, kind = #tpu.reduction_kind<arg_min>} : vector<4096x256xf32> -> vector<256xi32>
    %broadcast_in_dim3A_84 = vector.shape_cast %argmin3A_83 : vector<256xi32> to vector<1x256xi32>
    %swap3A_85 = arith.constant 6 : index
    %swap3A_86 = arith.constant 0 : index
    %swap3A_87 = vector.load %arg3[%swap3A_85, %swap3A_86] : memref<32x256xi32, #tpu.memory_space<vmem>>, vector<1x256xi32>
    tpu.vector_store %arg3[%swap3A_85, %swap3A_86], %broadcast_in_dim3A_84 {strides = array<i32>} : memref<32x256xi32, #tpu.memory_space<vmem>>, vector<1x256xi32>,
    %eq3A_88 = vector.broadcast %broadcast_in_dim3A_84 : vector<1x256xi32> to vector<4096x256xi32>
    %eq3A_89 = arith.cmpi eq, %iota3A, %eq3A_88 : vector<4096x256xi32>
    %jit3A_90 = arith.constant 0x7F800000 : f32
    %broadcast_in_dim3A_91 = vector.broadcast %jit3A_90 : f32 to vector<4096x256xf32>
    %select_n3A_92 = arith.select %eq3A_89, %broadcast_in_dim3A_91, %select_n3A_82 : vector<4096x256xi1>, vector<4096x256xf32>
    %argmin3A_93 = tpu.reduce_index %select_n3A_92 {axis = 0 : i32, kind = #tpu.reduction_kind<arg_min>} : vector<4096x256xf32> -> vector<256xi32>
    %broadcast_in_dim3A_94 = vector.shape_cast %argmin3A_93 : vector<256xi32> to vector<1x256xi32>
    %swap3A_95 = arith.constant 7 : index
    %swap3A_96 = arith.constant 0 : index
    %swap3A_97 = vector.load %arg3[%swap3A_95, %swap3A_96] : memref<32x256xi32, #tpu.memory_space<vmem>>, vector<1x256xi32>
    tpu.vector_store %arg3[%swap3A_95, %swap3A_96], %broadcast_in_dim3A_94 {strides = array<i32>} : memref<32x256xi32, #tpu.memory_space<vmem>>, vector<1x256xi32>,
    %eq3A_98 = vector.broadcast %broadcast_in_dim3A_94 : vector<1x256xi32> to vector<4096x256xi32>
    %eq3A_99 = arith.cmpi eq, %iota3A, %eq3A_98 : vector<4096x256xi32>
    %jit3A_100 = arith.constant 0x7F800000 : f32
    %broadcast_in_dim3A_101 = vector.broadcast %jit3A_100 : f32 to vector<4096x256xf32>
    %select_n3A_102 = arith.select %eq3A_99, %broadcast_in_dim3A_101, %select_n3A_92 : vector<4096x256xi1>, vector<4096x256xf32>
    %argmin3A_103 = tpu.reduce_index %select_n3A_102 {axis = 0 : i32, kind = #tpu.reduction_kind<arg_min>} : vector<4096x256xf32> -> vector<256xi32>
    %broadcast_in_dim3A_104 = vector.shape_cast %argmin3A_103 : vector<256xi32> to vector<1x256xi32>
    %swap3A_105 = arith.constant 8 : index
    %swap3A_106 = arith.constant 0 : index
    %swap3A_107 = vector.load %arg3[%swap3A_105, %swap3A_106] : memref<32x256xi32, #tpu.memory_space<vmem>>, vector<1x256xi32>
    tpu.vector_store %arg3[%swap3A_105, %swap3A_106], %broadcast_in_dim3A_104 {strides = array<i32>} : memref<32x256xi32, #tpu.memory_space<vmem>>, vector<1x256xi32>,
    %eq3A_108 = vector.broadcast %broadcast_in_dim3A_104 : vector<1x256xi32> to vector<4096x256xi32>
    %eq3A_109 = arith.cmpi eq, %iota3A, %eq3A_108 : vector<4096x256xi32>
    %jit3A_110 = arith.constant 0x7F800000 : f32
    %broadcast_in_dim3A_111 = vector.broadcast %jit3A_110 : f32 to vector<4096x256xf32>
    %select_n3A_112 = arith.select %eq3A_109, %broadcast_in_dim3A_111, %select_n3A_102 : vector<4096x256xi1>, vector<4096x256xf32>
    %argmin3A_113 = tpu.reduce_index %select_n3A_112 {axis = 0 : i32, kind = #tpu.reduction_kind<arg_min>} : vector<4096x256xf32> -> vector<256xi32>
    %broadcast_in_dim3A_114 = vector.shape_cast %argmin3A_113 : vector<256xi32> to vector<1x256xi32>
    %swap3A_115 = arith.constant 9 : index
    %swap3A_116 = arith.constant 0 : index
    %swap3A_117 = vector.load %arg3[%swap3A_115, %swap3A_116] : memref<32x256xi32, #tpu.memory_space<vmem>>, vector<1x256xi32>
    tpu.vector_store %arg3[%swap3A_115, %swap3A_116], %broadcast_in_dim3A_114 {strides = array<i32>} : memref<32x256xi32, #tpu.memory_space<vmem>>, vector<1x256xi32>,
    %eq3A_118 = vector.broadcast %broadcast_in_dim3A_114 : vector<1x256xi32> to vector<4096x256xi32>
    %eq3A_119 = arith.cmpi eq, %iota3A, %eq3A_118 : vector<4096x256xi32>
    %jit3A_120 = arith.constant 0x7F800000 : f32
    %broadcast_in_dim3A_121 = vector.broadcast %jit3A_120 : f32 to vector<4096x256xf32>
    %select_n3A_122 = arith.select %eq3A_119, %broadcast_in_dim3A_121, %select_n3A_112 : vector<4096x256xi1>, vector<4096x256xf32>
    %argmin3A_123 = tpu.reduce_index %select_n3A_122 {axis = 0 : i32, kind = #tpu.reduction_kind<arg_min>} : vector<4096x256xf32> -> vector<256xi32>
    %broadcast_in_dim3A_124 = vector.shape_cast %argmin3A_123 : vector<256xi32> to vector<1x256xi32>
    %swap3A_125 = arith.constant 10 : index
    %swap3A_126 = arith.constant 0 : index
    %swap3A_127 = vector.load %arg3[%swap3A_125, %swap3A_126] : memref<32x256xi32, #tpu.memory_space<vmem>>, vector<1x256xi32>
    tpu.vector_store %arg3[%swap3A_125, %swap3A_126], %broadcast_in_dim3A_124 {strides = array<i32>} : memref<32x256xi32, #tpu.memory_space<vmem>>, vector<1x256xi32>,
    %eq3A_128 = vector.broadcast %broadcast_in_dim3A_124 : vector<1x256xi32> to vector<4096x256xi32>
    %eq3A_129 = arith.cmpi eq, %iota3A, %eq3A_128 : vector<4096x256xi32>
    %jit3A_130 = arith.constant 0x7F800000 : f32
    %broadcast_in_dim3A_131 = vector.broadcast %jit3A_130 : f32 to vector<4096x256xf32>
    %select_n3A_132 = arith.select %eq3A_129, %broadcast_in_dim3A_131, %select_n3A_122 : vector<4096x256xi1>, vector<4096x256xf32>
    %argmin3A_133 = tpu.reduce_index %select_n3A_132 {axis = 0 : i32, kind = #tpu.reduction_kind<arg_min>} : vector<4096x256xf32> -> vector<256xi32>
    %broadcast_in_dim3A_134 = vector.shape_cast %argmin3A_133 : vector<256xi32> to vector<1x256xi32>
    %swap3A_135 = arith.constant 11 : index
    %swap3A_136 = arith.constant 0 : index
    %swap3A_137 = vector.load %arg3[%swap3A_135, %swap3A_136] : memref<32x256xi32, #tpu.memory_space<vmem>>, vector<1x256xi32>
    tpu.vector_store %arg3[%swap3A_135, %swap3A_136], %broadcast_in_dim3A_134 {strides = array<i32>} : memref<32x256xi32, #tpu.memory_space<vmem>>, vector<1x256xi32>,
    %eq3A_138 = vector.broadcast %broadcast_in_dim3A_134 : vector<1x256xi32> to vector<4096x256xi32>
    %eq3A_139 = arith.cmpi eq, %iota3A, %eq3A_138 : vector<4096x256xi32>
    %jit3A_140 = arith.constant 0x7F800000 : f32
    %broadcast_in_dim3A_141 = vector.broadcast %jit3A_140 : f32 to vector<4096x256xf32>
    %select_n3A_142 = arith.select %eq3A_139, %broadcast_in_dim3A_141, %select_n3A_132 : vector<4096x256xi1>, vector<4096x256xf32>
    %argmin3A_143 = tpu.reduce_index %select_n3A_142 {axis = 0 : i32, kind = #tpu.reduction_kind<arg_min>} : vector<4096x256xf32> -> vector<256xi32>
    %broadcast_in_dim3A_144 = vector.shape_cast %argmin3A_143 : vector<256xi32> to vector<1x256xi32>
    %swap3A_145 = arith.constant 12 : index
    %swap3A_146 = arith.constant 0 : index
    %swap3A_147 = vector.load %arg3[%swap3A_145, %swap3A_146] : memref<32x256xi32, #tpu.memory_space<vmem>>, vector<1x256xi32>
    tpu.vector_store %arg3[%swap3A_145, %swap3A_146], %broadcast_in_dim3A_144 {strides = array<i32>} : memref<32x256xi32, #tpu.memory_space<vmem>>, vector<1x256xi32>,
    %eq3A_148 = vector.broadcast %broadcast_in_dim3A_144 : vector<1x256xi32> to vector<4096x256xi32>
    %eq3A_149 = arith.cmpi eq, %iota3A, %eq3A_148 : vector<4096x256xi32>
    %jit3A_150 = arith.constant 0x7F800000 : f32
    %broadcast_in_dim3A_151 = vector.broadcast %jit3A_150 : f32 to vector<4096x256xf32>
    %select_n3A_152 = arith.select %eq3A_149, %broadcast_in_dim3A_151, %select_n3A_142 : vector<4096x256xi1>, vector<4096x256xf32>
    %argmin3A_153 = tpu.reduce_index %select_n3A_152 {axis = 0 : i32, kind = #tpu.reduction_kind<arg_min>} : vector<4096x256xf32> -> vector<256xi32>
    %broadcast_in_dim3A_154 = vector.shape_cast %argmin3A_153 : vector<256xi32> to vector<1x256xi32>
    %swap3A_155 = arith.constant 13 : index
    %swap3A_156 = arith.constant 0 : index
    %swap3A_157 = vector.load %arg3[%swap3A_155, %swap3A_156] : memref<32x256xi32, #tpu.memory_space<vmem>>, vector<1x256xi32>
    tpu.vector_store %arg3[%swap3A_155, %swap3A_156], %broadcast_in_dim3A_154 {strides = array<i32>} : memref<32x256xi32, #tpu.memory_space<vmem>>, vector<1x256xi32>,
    %eq3A_158 = vector.broadcast %broadcast_in_dim3A_154 : vector<1x256xi32> to vector<4096x256xi32>
    %eq3A_159 = arith.cmpi eq, %iota3A, %eq3A_158 : vector<4096x256xi32>
    %jit3A_160 = arith.constant 0x7F800000 : f32
    %broadcast_in_dim3A_161 = vector.broadcast %jit3A_160 : f32 to vector<4096x256xf32>
    %select_n3A_162 = arith.select %eq3A_159, %broadcast_in_dim3A_161, %select_n3A_152 : vector<4096x256xi1>, vector<4096x256xf32>
    %argmin3A_163 = tpu.reduce_index %select_n3A_162 {axis = 0 : i32, kind = #tpu.reduction_kind<arg_min>} : vector<4096x256xf32> -> vector<256xi32>
    %broadcast_in_dim3A_164 = vector.shape_cast %argmin3A_163 : vector<256xi32> to vector<1x256xi32>
    %swap3A_165 = arith.constant 14 : index
    %swap3A_166 = arith.constant 0 : index
    %swap3A_167 = vector.load %arg3[%swap3A_165, %swap3A_166] : memref<32x256xi32, #tpu.memory_space<vmem>>, vector<1x256xi32>
    tpu.vector_store %arg3[%swap3A_165, %swap3A_166], %broadcast_in_dim3A_164 {strides = array<i32>} : memref<32x256xi32, #tpu.memory_space<vmem>>, vector<1x256xi32>,
    %eq3A_168 = vector.broadcast %broadcast_in_dim3A_164 : vector<1x256xi32> to vector<4096x256xi32>
    %eq3A_169 = arith.cmpi eq, %iota3A, %eq3A_168 : vector<4096x256xi32>
    %jit3A_170 = arith.constant 0x7F800000 : f32
    %broadcast_in_dim3A_171 = vector.broadcast %jit3A_170 : f32 to vector<4096x256xf32>
    %select_n3A_172 = arith.select %eq3A_169, %broadcast_in_dim3A_171, %select_n3A_162 : vector<4096x256xi1>, vector<4096x256xf32>
    %argmin3A_173 = tpu.reduce_index %select_n3A_172 {axis = 0 : i32, kind = #tpu.reduction_kind<arg_min>} : vector<4096x256xf32> -> vector<256xi32>
    %broadcast_in_dim3A_174 = vector.shape_cast %argmin3A_173 : vector<256xi32> to vector<1x256xi32>
    %swap3A_175 = arith.constant 15 : index
    %swap3A_176 = arith.constant 0 : index
    %swap3A_177 = vector.load %arg3[%swap3A_175, %swap3A_176] : memref<32x256xi32, #tpu.memory_space<vmem>>, vector<1x256xi32>
    tpu.vector_store %arg3[%swap3A_175, %swap3A_176], %broadcast_in_dim3A_174 {strides = array<i32>} : memref<32x256xi32, #tpu.memory_space<vmem>>, vector<1x256xi32>,
    %eq3A_178 = vector.broadcast %broadcast_in_dim3A_174 : vector<1x256xi32> to vector<4096x256xi32>
    %eq3A_179 = arith.cmpi eq, %iota3A, %eq3A_178 : vector<4096x256xi32>
    %jit3A_180 = arith.constant 0x7F800000 : f32
    %broadcast_in_dim3A_181 = vector.broadcast %jit3A_180 : f32 to vector<4096x256xf32>
    %select_n3A_182 = arith.select %eq3A_179, %broadcast_in_dim3A_181, %select_n3A_172 : vector<4096x256xi1>, vector<4096x256xf32>
    %argmin3A_183 = tpu.reduce_index %select_n3A_182 {axis = 0 : i32, kind = #tpu.reduction_kind<arg_min>} : vector<4096x256xf32> -> vector<256xi32>
    %broadcast_in_dim3A_184 = vector.shape_cast %argmin3A_183 : vector<256xi32> to vector<1x256xi32>
    %swap3A_185 = arith.constant 16 : index
    %swap3A_186 = arith.constant 0 : index
    %swap3A_187 = vector.load %arg3[%swap3A_185, %swap3A_186] : memref<32x256xi32, #tpu.memory_space<vmem>>, vector<1x256xi32>
    tpu.vector_store %arg3[%swap3A_185, %swap3A_186], %broadcast_in_dim3A_184 {strides = array<i32>} : memref<32x256xi32, #tpu.memory_space<vmem>>, vector<1x256xi32>,
    %eq3A_188 = vector.broadcast %broadcast_in_dim3A_184 : vector<1x256xi32> to vector<4096x256xi32>
    %eq3A_189 = arith.cmpi eq, %iota3A, %eq3A_188 : vector<4096x256xi32>
    %jit3A_190 = arith.constant 0x7F800000 : f32
    %broadcast_in_dim3A_191 = vector.broadcast %jit3A_190 : f32 to vector<4096x256xf32>
    %select_n3A_192 = arith.select %eq3A_189, %broadcast_in_dim3A_191, %select_n3A_182 : vector<4096x256xi1>, vector<4096x256xf32>
    %argmin3A_193 = tpu.reduce_index %select_n3A_192 {axis = 0 : i32, kind = #tpu.reduction_kind<arg_min>} : vector<4096x256xf32> -> vector<256xi32>
    %broadcast_in_dim3A_194 = vector.shape_cast %argmin3A_193 : vector<256xi32> to vector<1x256xi32>
    %swap3A_195 = arith.constant 17 : index
    %swap3A_196 = arith.constant 0 : index
    %swap3A_197 = vector.load %arg3[%swap3A_195, %swap3A_196] : memref<32x256xi32, #tpu.memory_space<vmem>>, vector<1x256xi32>
    tpu.vector_store %arg3[%swap3A_195, %swap3A_196], %broadcast_in_dim3A_194 {strides = array<i32>} : memref<32x256xi32, #tpu.memory_space<vmem>>, vector<1x256xi32>,
    %eq3A_198 = vector.broadcast %broadcast_in_dim3A_194 : vector<1x256xi32> to vector<4096x256xi32>
    %eq3A_199 = arith.cmpi eq, %iota3A, %eq3A_198 : vector<4096x256xi32>
    %jit3A_200 = arith.constant 0x7F800000 : f32
    %broadcast_in_dim3A_201 = vector.broadcast %jit3A_200 : f32 to vector<4096x256xf32>
    %select_n3A_202 = arith.select %eq3A_199, %broadcast_in_dim3A_201, %select_n3A_192 : vector<4096x256xi1>, vector<4096x256xf32>
    %argmin3A_203 = tpu.reduce_index %select_n3A_202 {axis = 0 : i32, kind = #tpu.reduction_kind<arg_min>} : vector<4096x256xf32> -> vector<256xi32>
    %broadcast_in_dim3A_204 = vector.shape_cast %argmin3A_203 : vector<256xi32> to vector<1x256xi32>
    %swap3A_205 = arith.constant 18 : index
    %swap3A_206 = arith.constant 0 : index
    %swap3A_207 = vector.load %arg3[%swap3A_205, %swap3A_206] : memref<32x256xi32, #tpu.memory_space<vmem>>, vector<1x256xi32>
    tpu.vector_store %arg3[%swap3A_205, %swap3A_206], %broadcast_in_dim3A_204 {strides = array<i32>} : memref<32x256xi32, #tpu.memory_space<vmem>>, vector<1x256xi32>,
    %eq3A_208 = vector.broadcast %broadcast_in_dim3A_204 : vector<1x256xi32> to vector<4096x256xi32>
    %eq3A_209 = arith.cmpi eq, %iota3A, %eq3A_208 : vector<4096x256xi32>
    %jit3A_210 = arith.constant 0x7F800000 : f32
    %broadcast_in_dim3A_211 = vector.broadcast %jit3A_210 : f32 to vector<4096x256xf32>
    %select_n3A_212 = arith.select %eq3A_209, %broadcast_in_dim3A_211, %select_n3A_202 : vector<4096x256xi1>, vector<4096x256xf32>
    %argmin3A_213 = tpu.reduce_index %select_n3A_212 {axis = 0 : i32, kind = #tpu.reduction_kind<arg_min>} : vector<4096x256xf32> -> vector<256xi32>
    %broadcast_in_dim3A_214 = vector.shape_cast %argmin3A_213 : vector<256xi32> to vector<1x256xi32>
    %swap3A_215 = arith.constant 19 : index
    %swap3A_216 = arith.constant 0 : index
    %swap3A_217 = vector.load %arg3[%swap3A_215, %swap3A_216] : memref<32x256xi32, #tpu.memory_space<vmem>>, vector<1x256xi32>
    tpu.vector_store %arg3[%swap3A_215, %swap3A_216], %broadcast_in_dim3A_214 {strides = array<i32>} : memref<32x256xi32, #tpu.memory_space<vmem>>, vector<1x256xi32>,
    %eq3A_218 = vector.broadcast %broadcast_in_dim3A_214 : vector<1x256xi32> to vector<4096x256xi32>
    %eq3A_219 = arith.cmpi eq, %iota3A, %eq3A_218 : vector<4096x256xi32>
    %jit3A_220 = arith.constant 0x7F800000 : f32
    %broadcast_in_dim3A_221 = vector.broadcast %jit3A_220 : f32 to vector<4096x256xf32>
    %select_n3A_222 = arith.select %eq3A_219, %broadcast_in_dim3A_221, %select_n3A_212 : vector<4096x256xi1>, vector<4096x256xf32>
    %argmin3A_223 = tpu.reduce_index %select_n3A_222 {axis = 0 : i32, kind = #tpu.reduction_kind<arg_min>} : vector<4096x256xf32> -> vector<256xi32>
    %broadcast_in_dim3A_224 = vector.shape_cast %argmin3A_223 : vector<256xi32> to vector<1x256xi32>
    %swap3A_225 = arith.constant 20 : index
    %swap3A_226 = arith.constant 0 : index
    %swap3A_227 = vector.load %arg3[%swap3A_225, %swap3A_226] : memref<32x256xi32, #tpu.memory_space<vmem>>, vector<1x256xi32>
    tpu.vector_store %arg3[%swap3A_225, %swap3A_226], %broadcast_in_dim3A_224 {strides = array<i32>} : memref<32x256xi32, #tpu.memory_space<vmem>>, vector<1x256xi32>,
    %eq3A_228 = vector.broadcast %broadcast_in_dim3A_224 : vector<1x256xi32> to vector<4096x256xi32>
    %eq3A_229 = arith.cmpi eq, %iota3A, %eq3A_228 : vector<4096x256xi32>
    %jit3A_230 = arith.constant 0x7F800000 : f32
    %broadcast_in_dim3A_231 = vector.broadcast %jit3A_230 : f32 to vector<4096x256xf32>
    %select_n3A_232 = arith.select %eq3A_229, %broadcast_in_dim3A_231, %select_n3A_222 : vector<4096x256xi1>, vector<4096x256xf32>
    %argmin3A_233 = tpu.reduce_index %select_n3A_232 {axis = 0 : i32, kind = #tpu.reduction_kind<arg_min>} : vector<4096x256xf32> -> vector<256xi32>
    %broadcast_in_dim3A_234 = vector.shape_cast %argmin3A_233 : vector<256xi32> to vector<1x256xi32>
    %swap3A_235 = arith.constant 21 : index
    %swap3A_236 = arith.constant 0 : index
    %swap3A_237 = vector.load %arg3[%swap3A_235, %swap3A_236] : memref<32x256xi32, #tpu.memory_space<vmem>>, vector<1x256xi32>
    tpu.vector_store %arg3[%swap3A_235, %swap3A_236], %broadcast_in_dim3A_234 {strides = array<i32>} : memref<32x256xi32, #tpu.memory_space<vmem>>, vector<1x256xi32>,
    %eq3A_238 = vector.broadcast %broadcast_in_dim3A_234 : vector<1x256xi32> to vector<4096x256xi32>
    %eq3A_239 = arith.cmpi eq, %iota3A, %eq3A_238 : vector<4096x256xi32>
    %jit3A_240 = arith.constant 0x7F800000 : f32
    %broadcast_in_dim3A_241 = vector.broadcast %jit3A_240 : f32 to vector<4096x256xf32>
    %select_n3A_242 = arith.select %eq3A_239, %broadcast_in_dim3A_241, %select_n3A_232 : vector<4096x256xi1>, vector<4096x256xf32>
    %argmin3A_243 = tpu.reduce_index %select_n3A_242 {axis = 0 : i32, kind = #tpu.reduction_kind<arg_min>} : vector<4096x256xf32> -> vector<256xi32>
    %broadcast_in_dim3A_244 = vector.shape_cast %argmin3A_243 : vector<256xi32> to vector<1x256xi32>
    %swap3A_245 = arith.constant 22 : index
    %swap3A_246 = arith.constant 0 : index
    %swap3A_247 = vector.load %arg3[%swap3A_245, %swap3A_246] : memref<32x256xi32, #tpu.memory_space<vmem>>, vector<1x256xi32>
    tpu.vector_store %arg3[%swap3A_245, %swap3A_246], %broadcast_in_dim3A_244 {strides = array<i32>} : memref<32x256xi32, #tpu.memory_space<vmem>>, vector<1x256xi32>,
    %eq3A_248 = vector.broadcast %broadcast_in_dim3A_244 : vector<1x256xi32> to vector<4096x256xi32>
    %eq3A_249 = arith.cmpi eq, %iota3A, %eq3A_248 : vector<4096x256xi32>
    %jit3A_250 = arith.constant 0x7F800000 : f32
    %broadcast_in_dim3A_251 = vector.broadcast %jit3A_250 : f32 to vector<4096x256xf32>
    %select_n3A_252 = arith.select %eq3A_249, %broadcast_in_dim3A_251, %select_n3A_242 : vector<4096x256xi1>, vector<4096x256xf32>
    %argmin3A_253 = tpu.reduce_index %select_n3A_252 {axis = 0 : i32, kind = #tpu.reduction_kind<arg_min>} : vector<4096x256xf32> -> vector<256xi32>
    %broadcast_in_dim3A_254 = vector.shape_cast %argmin3A_253 : vector<256xi32> to vector<1x256xi32>
    %swap3A_255 = arith.constant 23 : index
    %swap3A_256 = arith.constant 0 : index
    %swap3A_257 = vector.load %arg3[%swap3A_255, %swap3A_256] : memref<32x256xi32, #tpu.memory_space<vmem>>, vector<1x256xi32>
    tpu.vector_store %arg3[%swap3A_255, %swap3A_256], %broadcast_in_dim3A_254 {strides = array<i32>} : memref<32x256xi32, #tpu.memory_space<vmem>>, vector<1x256xi32>,
    %eq3A_258 = vector.broadcast %broadcast_in_dim3A_254 : vector<1x256xi32> to vector<4096x256xi32>
    %eq3A_259 = arith.cmpi eq, %iota3A, %eq3A_258 : vector<4096x256xi32>
    %jit3A_260 = arith.constant 0x7F800000 : f32
    %broadcast_in_dim3A_261 = vector.broadcast %jit3A_260 : f32 to vector<4096x256xf32>
    %select_n3A_262 = arith.select %eq3A_259, %broadcast_in_dim3A_261, %select_n3A_252 : vector<4096x256xi1>, vector<4096x256xf32>
    %argmin3A_263 = tpu.reduce_index %select_n3A_262 {axis = 0 : i32, kind = #tpu.reduction_kind<arg_min>} : vector<4096x256xf32> -> vector<256xi32>
    %broadcast_in_dim3A_264 = vector.shape_cast %argmin3A_263 : vector<256xi32> to vector<1x256xi32>
    %swap3A_265 = arith.constant 24 : index
    %swap3A_266 = arith.constant 0 : index
    %swap3A_267 = vector.load %arg3[%swap3A_265, %swap3A_266] : memref<32x256xi32, #tpu.memory_space<vmem>>, vector<1x256xi32>
    tpu.vector_store %arg3[%swap3A_265, %swap3A_266], %broadcast_in_dim3A_264 {strides = array<i32>} : memref<32x256xi32, #tpu.memory_space<vmem>>, vector<1x256xi32>,
    %eq3A_268 = vector.broadcast %broadcast_in_dim3A_264 : vector<1x256xi32> to vector<4096x256xi32>
    %eq3A_269 = arith.cmpi eq, %iota3A, %eq3A_268 : vector<4096x256xi32>
    %jit3A_270 = arith.constant 0x7F800000 : f32
    %broadcast_in_dim3A_271 = vector.broadcast %jit3A_270 : f32 to vector<4096x256xf32>
    %select_n3A_272 = arith.select %eq3A_269, %broadcast_in_dim3A_271, %select_n3A_262 : vector<4096x256xi1>, vector<4096x256xf32>
    %argmin3A_273 = tpu.reduce_index %select_n3A_272 {axis = 0 : i32, kind = #tpu.reduction_kind<arg_min>} : vector<4096x256xf32> -> vector<256xi32>
    %broadcast_in_dim3A_274 = vector.shape_cast %argmin3A_273 : vector<256xi32> to vector<1x256xi32>
    %swap3A_275 = arith.constant 25 : index
    %swap3A_276 = arith.constant 0 : index
    %swap3A_277 = vector.load %arg3[%swap3A_275, %swap3A_276] : memref<32x256xi32, #tpu.memory_space<vmem>>, vector<1x256xi32>
    tpu.vector_store %arg3[%swap3A_275, %swap3A_276], %broadcast_in_dim3A_274 {strides = array<i32>} : memref<32x256xi32, #tpu.memory_space<vmem>>, vector<1x256xi32>,
    %eq3A_278 = vector.broadcast %broadcast_in_dim3A_274 : vector<1x256xi32> to vector<4096x256xi32>
    %eq3A_279 = arith.cmpi eq, %iota3A, %eq3A_278 : vector<4096x256xi32>
    %jit3A_280 = arith.constant 0x7F800000 : f32
    %broadcast_in_dim3A_281 = vector.broadcast %jit3A_280 : f32 to vector<4096x256xf32>
    %select_n3A_282 = arith.select %eq3A_279, %broadcast_in_dim3A_281, %select_n3A_272 : vector<4096x256xi1>, vector<4096x256xf32>
    %argmin3A_283 = tpu.reduce_index %select_n3A_282 {axis = 0 : i32, kind = #tpu.reduction_kind<arg_min>} : vector<4096x256xf32> -> vector<256xi32>
    %broadcast_in_dim3A_284 = vector.shape_cast %argmin3A_283 : vector<256xi32> to vector<1x256xi32>
    %swap3A_285 = arith.constant 26 : index
    %swap3A_286 = arith.constant 0 : index
    %swap3A_287 = vector.load %arg3[%swap3A_285, %swap3A_286] : memref<32x256xi32, #tpu.memory_space<vmem>>, vector<1x256xi32>
    tpu.vector_store %arg3[%swap3A_285, %swap3A_286], %broadcast_in_dim3A_284 {strides = array<i32>} : memref<32x256xi32, #tpu.memory_space<vmem>>, vector<1x256xi32>,
    %eq3A_288 = vector.broadcast %broadcast_in_dim3A_284 : vector<1x256xi32> to vector<4096x256xi32>
    %eq3A_289 = arith.cmpi eq, %iota3A, %eq3A_288 : vector<4096x256xi32>
    %jit3A_290 = arith.constant 0x7F800000 : f32
    %broadcast_in_dim3A_291 = vector.broadcast %jit3A_290 : f32 to vector<4096x256xf32>
    %select_n3A_292 = arith.select %eq3A_289, %broadcast_in_dim3A_291, %select_n3A_282 : vector<4096x256xi1>, vector<4096x256xf32>
    %argmin3A_293 = tpu.reduce_index %select_n3A_292 {axis = 0 : i32, kind = #tpu.reduction_kind<arg_min>} : vector<4096x256xf32> -> vector<256xi32>
    %broadcast_in_dim3A_294 = vector.shape_cast %argmin3A_293 : vector<256xi32> to vector<1x256xi32>
    %swap3A_295 = arith.constant 27 : index
    %swap3A_296 = arith.constant 0 : index
    %swap3A_297 = vector.load %arg3[%swap3A_295, %swap3A_296] : memref<32x256xi32, #tpu.memory_space<vmem>>, vector<1x256xi32>
    tpu.vector_store %arg3[%swap3A_295, %swap3A_296], %broadcast_in_dim3A_294 {strides = array<i32>} : memref<32x256xi32, #tpu.memory_space<vmem>>, vector<1x256xi32>,
    %eq3A_298 = vector.broadcast %broadcast_in_dim3A_294 : vector<1x256xi32> to vector<4096x256xi32>
    %eq3A_299 = arith.cmpi eq, %iota3A, %eq3A_298 : vector<4096x256xi32>
    %jit3A_300 = arith.constant 0x7F800000 : f32
    %broadcast_in_dim3A_301 = vector.broadcast %jit3A_300 : f32 to vector<4096x256xf32>
    %select_n3A_302 = arith.select %eq3A_299, %broadcast_in_dim3A_301, %select_n3A_292 : vector<4096x256xi1>, vector<4096x256xf32>
    %argmin3A_303 = tpu.reduce_index %select_n3A_302 {axis = 0 : i32, kind = #tpu.reduction_kind<arg_min>} : vector<4096x256xf32> -> vector<256xi32>
    %broadcast_in_dim3A_304 = vector.shape_cast %argmin3A_303 : vector<256xi32> to vector<1x256xi32>
    %swap3A_305 = arith.constant 28 : index
    %swap3A_306 = arith.constant 0 : index
    %swap3A_307 = vector.load %arg3[%swap3A_305, %swap3A_306] : memref<32x256xi32, #tpu.memory_space<vmem>>, vector<1x256xi32>
    tpu.vector_store %arg3[%swap3A_305, %swap3A_306], %broadcast_in_dim3A_304 {strides = array<i32>} : memref<32x256xi32, #tpu.memory_space<vmem>>, vector<1x256xi32>,
    %eq3A_308 = vector.broadcast %broadcast_in_dim3A_304 : vector<1x256xi32> to vector<4096x256xi32>
    %eq3A_309 = arith.cmpi eq, %iota3A, %eq3A_308 : vector<4096x256xi32>
    %jit3A_310 = arith.constant 0x7F800000 : f32
    %broadcast_in_dim3A_311 = vector.broadcast %jit3A_310 : f32 to vector<4096x256xf32>
    %select_n3A_312 = arith.select %eq3A_309, %broadcast_in_dim3A_311, %select_n3A_302 : vector<4096x256xi1>, vector<4096x256xf32>
    %argmin3A_313 = tpu.reduce_index %select_n3A_312 {axis = 0 : i32, kind = #tpu.reduction_kind<arg_min>} : vector<4096x256xf32> -> vector<256xi32>
    %broadcast_in_dim3A_314 = vector.shape_cast %argmin3A_313 : vector<256xi32> to vector<1x256xi32>
    %swap3A_315 = arith.constant 29 : index
    %swap3A_316 = arith.constant 0 : index
    %swap3A_317 = vector.load %arg3[%swap3A_315, %swap3A_316] : memref<32x256xi32, #tpu.memory_space<vmem>>, vector<1x256xi32>
    tpu.vector_store %arg3[%swap3A_315, %swap3A_316], %broadcast_in_dim3A_314 {strides = array<i32>} : memref<32x256xi32, #tpu.memory_space<vmem>>, vector<1x256xi32>,
    %eq3A_318 = vector.broadcast %broadcast_in_dim3A_314 : vector<1x256xi32> to vector<4096x256xi32>
    %eq3A_319 = arith.cmpi eq, %iota3A, %eq3A_318 : vector<4096x256xi32>
    %jit3A_320 = arith.constant 0x7F800000 : f32
    %broadcast_in_dim3A_321 = vector.broadcast %jit3A_320 : f32 to vector<4096x256xf32>
    %select_n3A_322 = arith.select %eq3A_319, %broadcast_in_dim3A_321, %select_n3A_312 : vector<4096x256xi1>, vector<4096x256xf32>
    %argmin3A_323 = tpu.reduce_index %select_n3A_322 {axis = 0 : i32, kind = #tpu.reduction_kind<arg_min>} : vector<4096x256xf32> -> vector<256xi32>
    %broadcast_in_dim3A_324 = vector.shape_cast %argmin3A_323 : vector<256xi32> to vector<1x256xi32>
    %swap3A_325 = arith.constant 30 : index
    %swap3A_326 = arith.constant 0 : index
    %swap3A_327 = vector.load %arg3[%swap3A_325, %swap3A_326] : memref<32x256xi32, #tpu.memory_space<vmem>>, vector<1x256xi32>
    tpu.vector_store %arg3[%swap3A_325, %swap3A_326], %broadcast_in_dim3A_324 {strides = array<i32>} : memref<32x256xi32, #tpu.memory_space<vmem>>, vector<1x256xi32>,
    %eq3A_328 = vector.broadcast %broadcast_in_dim3A_324 : vector<1x256xi32> to vector<4096x256xi32>
    %eq3A_329 = arith.cmpi eq, %iota3A, %eq3A_328 : vector<4096x256xi32>
    %jit3A_330 = arith.constant 0x7F800000 : f32
    %broadcast_in_dim3A_331 = vector.broadcast %jit3A_330 : f32 to vector<4096x256xf32>
    %select_n3A_332 = arith.select %eq3A_329, %broadcast_in_dim3A_331, %select_n3A_322 : vector<4096x256xi1>, vector<4096x256xf32>
    %argmin3A_333 = tpu.reduce_index %select_n3A_332 {axis = 0 : i32, kind = #tpu.reduction_kind<arg_min>} : vector<4096x256xf32> -> vector<256xi32>
    %broadcast_in_dim3A_334 = vector.shape_cast %argmin3A_333 : vector<256xi32> to vector<1x256xi32>
    %swap3A_335 = arith.constant 31 : index
    %swap3A_336 = arith.constant 0 : index
    %swap3A_337 = vector.load %arg3[%swap3A_335, %swap3A_336] : memref<32x256xi32, #tpu.memory_space<vmem>>, vector<1x256xi32>
    tpu.vector_store %arg3[%swap3A_335, %swap3A_336], %broadcast_in_dim3A_334 {strides = array<i32>} : memref<32x256xi32, #tpu.memory_space<vmem>>, vector<1x256xi32>,
    return
  }
  func.func @transform_0(%arg0: i32) -> (i32, i32) {
    %c0_i32 = arith.constant 0 : i32
    %c0_i32_0 = arith.constant 0 : i32
    %c0_i32_1 = arith.constant 0 : i32
    return %c0_i32, %c0_i32_0 : i32, i32
  }
  func.func @transform_1(%arg0: i32) -> (i32, i32) {
    %c0_i32 = arith.constant 0 : i32
    %c0_i32_0 = arith.constant 0 : i32
    %c0_i32_1 = arith.constant 0 : i32
    return %c0_i32, %c0_i32_0 : i32, i32
  }
  func.func @transform_2(%arg0: i32) -> (i32, i32) {
    %c0_i32 = arith.constant 0 : i32
    %c0_i32_0 = arith.constant 0 : i32
    return %arg0, %c0_i32 : i32, i32
  }
}

module attributes {stable_mosaic.version = 14 : i64} {
  func.func @_mlp_body(%arg0: i32, %arg1: memref<8192x16xf32, #tpu.memory_space<vmem>>, %arg2: memref<256x32xi32, #tpu.memory_space<vmem>>, %arg3: memref<256x4xf32, #tpu.memory_space<vmem>>, %arg4: memref<256x2xf32, #tpu.memory_space<vmem>>, %arg5: memref<5x64xf32, #tpu.memory_space<vmem>>, %arg6: memref<1x64xf32, #tpu.memory_space<vmem>>, %arg7: memref<64x128xf32, #tpu.memory_space<vmem>>, %arg8: memref<1x128xf32, #tpu.memory_space<vmem>>, %arg9: memref<132x64xf32, #tpu.memory_space<vmem>>, %arg10: memref<1x64xf32, #tpu.memory_space<vmem>>, %arg11: memref<64x128xf32, #tpu.memory_space<vmem>>, %arg12: memref<1x128xf32, #tpu.memory_space<vmem>>, %arg13: memref<128x64xf32, #tpu.memory_space<vmem>>, %arg14: memref<1x64xf32, #tpu.memory_space<vmem>>, %arg15: memref<64x4xf32, #tpu.memory_space<vmem>>, %arg16: memref<1x4xf32, #tpu.memory_space<vmem>>, %arg17: memref<256x2xf32, #tpu.memory_space<vmem>>) attributes {dimension_semantics = [#tpu.dimension_semantics<arbitrary>], iteration_bounds = array<i64: 8>, scalar_prefetch = 0 : i64, scratch_operands = 0 : i64, tpu.core_type = #tpu.core_type<tc>, window_params = [{transform_indices = @transform_0, window_bounds = array<i64: 8192, 16>}, {transform_indices = @transform_1, window_bounds = array<i64: 256, 32>}, {transform_indices = @transform_2, window_bounds = array<i64: 256, 4>}, {transform_indices = @transform_3, window_bounds = array<i64: 256, 2>}, {pipeline_mode = #tpu.pipeline_mode<synchronous>, transform_indices = @transform_4, window_bounds = array<i64: 5, 64>}, {pipeline_mode = #tpu.pipeline_mode<synchronous>, transform_indices = @transform_5, window_bounds = array<i64: 1, 64>}, {pipeline_mode = #tpu.pipeline_mode<synchronous>, transform_indices = @transform_6, window_bounds = array<i64: 64, 128>}, {pipeline_mode = #tpu.pipeline_mode<synchronous>, transform_indices = @transform_7, window_bounds = array<i64: 1, 128>}, {pipeline_mode = #tpu.pipeline_mode<synchronous>, transform_indices = @transform_8, window_bounds = array<i64: 132, 64>}, {pipeline_mode = #tpu.pipeline_mode<synchronous>, transform_indices = @transform_9, window_bounds = array<i64: 1, 64>}, {pipeline_mode = #tpu.pipeline_mode<synchronous>, transform_indices = @transform_10, window_bounds = array<i64: 64, 128>}, {pipeline_mode = #tpu.pipeline_mode<synchronous>, transform_indices = @transform_11, window_bounds = array<i64: 1, 128>}, {pipeline_mode = #tpu.pipeline_mode<synchronous>, transform_indices = @transform_12, window_bounds = array<i64: 128, 64>}, {pipeline_mode = #tpu.pipeline_mode<synchronous>, transform_indices = @transform_13, window_bounds = array<i64: 1, 64>}, {pipeline_mode = #tpu.pipeline_mode<synchronous>, transform_indices = @transform_14, window_bounds = array<i64: 64, 4>}, {pipeline_mode = #tpu.pipeline_mode<synchronous>, transform_indices = @transform_15, window_bounds = array<i64: 1, 4>}, {transform_indices = @transform_16, window_bounds = array<i64: 256, 2>}]} {
    %get3A = arith.constant 0 : index
    %get3A_0 = arith.constant 0 : index
    %get3A_1 = vector.load %arg3[%get3A, %get3A_0] : memref<256x4xf32, #tpu.memory_space<vmem>>, vector<256x4xf32>
    %get3A_2 = arith.constant 0 : index
    %get3A_3 = arith.constant 0 : index
    %get3A_4 = vector.load %arg4[%get3A_2, %get3A_3] : memref<256x2xf32, #tpu.memory_space<vmem>>, vector<256x2xf32>
    %get3A_5 = arith.constant 0 : index
    %get3A_6 = arith.constant 0 : index
    %get3A_7 = vector.load %arg1[%get3A_5, %get3A_6] : memref<8192x16xf32, #tpu.memory_space<vmem>>, vector<8192x16xf32>
    %reshape3A = vector.shape_cast %get3A_7 : vector<8192x16xf32> to vector<256x32x16xf32>
    %slice3A = vector.extract_strided_slice %reshape3A {offsets = [0, 0, 5], sizes = [256, 32, 1], strides = [1, 1, 1]} : vector<256x32x16xf32> to vector<256x32x1xf32>
    %squeeze3A = vector.shape_cast %slice3A : vector<256x32x1xf32> to vector<256x32xf32>
    %slice3A_8 = vector.extract_strided_slice %reshape3A {offsets = [0, 0, 0], sizes = [256, 32, 5], strides = [1, 1, 1]} : vector<256x32x16xf32> to vector<256x32x5xf32>
    %reshape3A_9 = vector.shape_cast %slice3A_8 : vector<256x32x5xf32> to vector<8192x5xf32>
    %get3A_10 = arith.constant 0 : index
    %get3A_11 = arith.constant 0 : index
    %get3A_12 = vector.load %arg5[%get3A_10, %get3A_11] : memref<5x64xf32, #tpu.memory_space<vmem>>, vector<5x64xf32>
    %dot_general3A = arith.constant dense<0.000000e+00> : vector<8192x64xf32>
    %dot_general3A_13 = tpu.matmul %reshape3A_9, %get3A_12, %dot_general3A {dimension_numbers = #tpu.dot_dimension_numbers<[1], [0], [0], [1], [0, 0, 1, 1], [], []>, transpose_lhs_hint = false} : vector<8192x5xf32>, vector<5x64xf32>, vector<8192x64xf32> -> vector<8192x64xf32>
    %get3A_14 = arith.constant 0 : index
    %get3A_15 = arith.constant 0 : index
    %get3A_16 = vector.load %arg6[%get3A_14, %get3A_15] : memref<1x64xf32, #tpu.memory_space<vmem>>, vector<1x64xf32>
    %add3A = vector.broadcast %get3A_16 : vector<1x64xf32> to vector<8192x64xf32>
    %add3A_17 = arith.addf %dot_general3A_13, %add3A : vector<8192x64xf32>
    %max3A = arith.constant 0.000000e+00 : f32
    %max3A_18 = vector.broadcast %max3A : f32 to vector<8192x64xf32>
    %max3A_19 = arith.maximumf %add3A_17, %max3A_18 : vector<8192x64xf32>
    %get3A_20 = arith.constant 0 : index
    %get3A_21 = arith.constant 0 : index
    %get3A_22 = vector.load %arg7[%get3A_20, %get3A_21] : memref<64x128xf32, #tpu.memory_space<vmem>>, vector<64x128xf32>
    %dot_general3A_23 = arith.constant dense<0.000000e+00> : vector<8192x128xf32>
    %dot_general3A_24 = tpu.matmul %max3A_19, %get3A_22, %dot_general3A_23 {dimension_numbers = #tpu.dot_dimension_numbers<[1], [0], [0], [1], [0, 0, 1, 1], [], []>, transpose_lhs_hint = false} : vector<8192x64xf32>, vector<64x128xf32>, vector<8192x128xf32> -> vector<8192x128xf32>
    %get3A_25 = arith.constant 0 : index
    %get3A_26 = arith.constant 0 : index
    %get3A_27 = vector.load %arg8[%get3A_25, %get3A_26] : memref<1x128xf32, #tpu.memory_space<vmem>>, vector<1x128xf32>
    %add3A_28 = vector.broadcast %get3A_27 : vector<1x128xf32> to vector<8192x128xf32>
    %add3A_29 = arith.addf %dot_general3A_24, %add3A_28 : vector<8192x128xf32>
    %max3A_30 = arith.constant 0.000000e+00 : f32
    %max3A_31 = vector.broadcast %max3A_30 : f32 to vector<8192x128xf32>
    %max3A_32 = arith.maximumf %add3A_29, %max3A_31 : vector<8192x128xf32>
    %reshape3A_33 = vector.shape_cast %max3A_32 : vector<8192x128xf32> to vector<256x32x128xf32>
    %broadcast_in_dim3A = vector.shape_cast %squeeze3A : vector<256x32xf32> to vector<256x32x1xf32>
    %mul3A = vector.broadcast %broadcast_in_dim3A : vector<256x32x1xf32> to vector<256x32x128xf32>
    %mul3A_34 = arith.mulf %reshape3A_33, %mul3A : vector<256x32x128xf32>
    %reduce_max3A = arith.constant dense<0xFF800000> : vector<256x128xf32>
    %reduce_max3A_35 = vector.multi_reduction <maximumf>, %mul3A_34, %reduce_max3A [1] : vector<256x32x128xf32> to vector<256x128xf32>
    %slice3A_36 = vector.extract_strided_slice %get3A_1 {offsets = [0, 0], sizes = [256, 2], strides = [1, 1]} : vector<256x4xf32> to vector<256x2xf32>
    %sub3A = arith.subf %slice3A_36, %get3A_4 : vector<256x2xf32>
    %slice3A_37 = vector.extract_strided_slice %get3A_1 {offsets = [0, 2], sizes = [256, 2], strides = [1, 1]} : vector<256x4xf32> to vector<256x2xf32>
    %concatenate3A = tpu.concatenate %reduce_max3A_35, %sub3A, %slice3A_37 in 1 : vector<256x128xf32>, vector<256x2xf32>, vector<256x2xf32> -> vector<256x132xf32>
    %get3A_38 = arith.constant 0 : index
    %get3A_39 = arith.constant 0 : index
    %get3A_40 = vector.load %arg9[%get3A_38, %get3A_39] : memref<132x64xf32, #tpu.memory_space<vmem>>, vector<132x64xf32>
    %dot_general3A_41 = arith.constant dense<0.000000e+00> : vector<256x64xf32>
    %dot_general3A_42 = tpu.matmul %concatenate3A, %get3A_40, %dot_general3A_41 {dimension_numbers = #tpu.dot_dimension_numbers<[1], [0], [0], [1], [0, 0, 1, 1], [], []>, transpose_lhs_hint = false} : vector<256x132xf32>, vector<132x64xf32>, vector<256x64xf32> -> vector<256x64xf32>
    %get3A_43 = arith.constant 0 : index
    %get3A_44 = arith.constant 0 : index
    %get3A_45 = vector.load %arg10[%get3A_43, %get3A_44] : memref<1x64xf32, #tpu.memory_space<vmem>>, vector<1x64xf32>
    %add3A_46 = vector.broadcast %get3A_45 : vector<1x64xf32> to vector<256x64xf32>
    %add3A_47 = arith.addf %dot_general3A_42, %add3A_46 : vector<256x64xf32>
    %max3A_48 = arith.constant 0.000000e+00 : f32
    %max3A_49 = vector.broadcast %max3A_48 : f32 to vector<256x64xf32>
    %max3A_50 = arith.maximumf %add3A_47, %max3A_49 : vector<256x64xf32>
    %get3A_51 = arith.constant 0 : index
    %get3A_52 = arith.constant 0 : index
    %get3A_53 = vector.load %arg11[%get3A_51, %get3A_52] : memref<64x128xf32, #tpu.memory_space<vmem>>, vector<64x128xf32>
    %dot_general3A_54 = arith.constant dense<0.000000e+00> : vector<256x128xf32>
    %dot_general3A_55 = tpu.matmul %max3A_50, %get3A_53, %dot_general3A_54 {dimension_numbers = #tpu.dot_dimension_numbers<[1], [0], [0], [1], [0, 0, 1, 1], [], []>, transpose_lhs_hint = false} : vector<256x64xf32>, vector<64x128xf32>, vector<256x128xf32> -> vector<256x128xf32>
    %get3A_56 = arith.constant 0 : index
    %get3A_57 = arith.constant 0 : index
    %get3A_58 = vector.load %arg12[%get3A_56, %get3A_57] : memref<1x128xf32, #tpu.memory_space<vmem>>, vector<1x128xf32>
    %add3A_59 = vector.broadcast %get3A_58 : vector<1x128xf32> to vector<256x128xf32>
    %add3A_60 = arith.addf %dot_general3A_55, %add3A_59 : vector<256x128xf32>
    %max3A_61 = arith.constant 0.000000e+00 : f32
    %max3A_62 = vector.broadcast %max3A_61 : f32 to vector<256x128xf32>
    %max3A_63 = arith.maximumf %add3A_60, %max3A_62 : vector<256x128xf32>
    %get3A_64 = arith.constant 0 : index
    %get3A_65 = arith.constant 0 : index
    %get3A_66 = vector.load %arg13[%get3A_64, %get3A_65] : memref<128x64xf32, #tpu.memory_space<vmem>>, vector<128x64xf32>
    %dot_general3A_67 = arith.constant dense<0.000000e+00> : vector<256x64xf32>
    %dot_general3A_68 = tpu.matmul %max3A_63, %get3A_66, %dot_general3A_67 {dimension_numbers = #tpu.dot_dimension_numbers<[1], [0], [0], [1], [0, 0, 1, 1], [], []>, transpose_lhs_hint = false} : vector<256x128xf32>, vector<128x64xf32>, vector<256x64xf32> -> vector<256x64xf32>
    %get3A_69 = arith.constant 0 : index
    %get3A_70 = arith.constant 0 : index
    %get3A_71 = vector.load %arg14[%get3A_69, %get3A_70] : memref<1x64xf32, #tpu.memory_space<vmem>>, vector<1x64xf32>
    %add3A_72 = vector.broadcast %get3A_71 : vector<1x64xf32> to vector<256x64xf32>
    %add3A_73 = arith.addf %dot_general3A_68, %add3A_72 : vector<256x64xf32>
    %max3A_74 = arith.constant 0.000000e+00 : f32
    %max3A_75 = vector.broadcast %max3A_74 : f32 to vector<256x64xf32>
    %max3A_76 = arith.maximumf %add3A_73, %max3A_75 : vector<256x64xf32>
    %get3A_77 = arith.constant 0 : index
    %get3A_78 = arith.constant 0 : index
    %get3A_79 = vector.load %arg15[%get3A_77, %get3A_78] : memref<64x4xf32, #tpu.memory_space<vmem>>, vector<64x4xf32>
    %dot_general3A_80 = arith.constant dense<0.000000e+00> : vector<256x4xf32>
    %dot_general3A_81 = tpu.matmul %max3A_76, %get3A_79, %dot_general3A_80 {dimension_numbers = #tpu.dot_dimension_numbers<[1], [0], [0], [1], [0, 0, 1, 1], [], []>, transpose_lhs_hint = false} : vector<256x64xf32>, vector<64x4xf32>, vector<256x4xf32> -> vector<256x4xf32>
    %get3A_82 = arith.constant 0 : index
    %get3A_83 = arith.constant 0 : index
    %get3A_84 = vector.load %arg16[%get3A_82, %get3A_83] : memref<1x4xf32, #tpu.memory_space<vmem>>, vector<1x4xf32>
    %add3A_85 = vector.broadcast %get3A_84 : vector<1x4xf32> to vector<256x4xf32>
    %add3A_86 = arith.addf %dot_general3A_81, %add3A_85 : vector<256x4xf32>
    %logistic3A = arith.negf %add3A_86 : vector<256x4xf32>
    %logistic3A_87 = math.exp %logistic3A : vector<256x4xf32>
    %logistic3A_88 = arith.constant 1.000000e+00 : f32
    %logistic3A_89 = vector.broadcast %logistic3A_88 : f32 to vector<256x4xf32>
    %logistic3A_90 = arith.addf %logistic3A_89, %logistic3A_87 : vector<256x4xf32>
    %logistic3A_91 = arith.divf %logistic3A_89, %logistic3A_90 : vector<256x4xf32>
    %mul3A_92 = arith.constant 2.000000e+00 : f32
    %mul3A_93 = vector.broadcast %mul3A_92 : f32 to vector<256x4xf32>
    %mul3A_94 = arith.mulf %mul3A_93, %logistic3A_91 : vector<256x4xf32>
    %add3A_95 = arith.constant 2.000000e-01 : f32
    %add3A_96 = vector.broadcast %add3A_95 : f32 to vector<256x4xf32>
    %add3A_97 = arith.addf %mul3A_94, %add3A_96 : vector<256x4xf32>
    %slice3A_98 = vector.extract_strided_slice %add3A_97 {offsets = [0, 0], sizes = [256, 1], strides = [1, 1]} : vector<256x4xf32> to vector<256x1xf32>
    %slice3A_99 = vector.extract_strided_slice %sub3A {offsets = [0, 0], sizes = [256, 1], strides = [1, 1]} : vector<256x2xf32> to vector<256x1xf32>
    %mul3A_100 = arith.mulf %slice3A_98, %slice3A_99 : vector<256x1xf32>
    %slice3A_101 = vector.extract_strided_slice %add3A_97 {offsets = [0, 1], sizes = [256, 1], strides = [1, 1]} : vector<256x4xf32> to vector<256x1xf32>
    %slice3A_102 = vector.extract_strided_slice %slice3A_37 {offsets = [0, 0], sizes = [256, 1], strides = [1, 1]} : vector<256x2xf32> to vector<256x1xf32>
    %mul3A_103 = arith.mulf %slice3A_101, %slice3A_102 : vector<256x1xf32>
    %add3A_104 = arith.addf %mul3A_100, %mul3A_103 : vector<256x1xf32>
    %neg3A = arith.constant 0.000000e+00 : f32
    %neg3A_105 = vector.broadcast %neg3A : f32 to vector<256x1xf32>
    %neg3A_106 = arith.subf %neg3A_105, %add3A_104 : vector<256x1xf32>
    %slice3A_107 = vector.extract_strided_slice %add3A_97 {offsets = [0, 2], sizes = [256, 1], strides = [1, 1]} : vector<256x4xf32> to vector<256x1xf32>
    %slice3A_108 = vector.extract_strided_slice %sub3A {offsets = [0, 1], sizes = [256, 1], strides = [1, 1]} : vector<256x2xf32> to vector<256x1xf32>
    %mul3A_109 = arith.mulf %slice3A_107, %slice3A_108 : vector<256x1xf32>
    %slice3A_110 = vector.extract_strided_slice %add3A_97 {offsets = [0, 3], sizes = [256, 1], strides = [1, 1]} : vector<256x4xf32> to vector<256x1xf32>
    %slice3A_111 = vector.extract_strided_slice %slice3A_37 {offsets = [0, 1], sizes = [256, 1], strides = [1, 1]} : vector<256x2xf32> to vector<256x1xf32>
    %mul3A_112 = arith.mulf %slice3A_110, %slice3A_111 : vector<256x1xf32>
    %add3A_113 = arith.addf %mul3A_109, %mul3A_112 : vector<256x1xf32>
    %neg3A_114 = arith.constant 0.000000e+00 : f32
    %neg3A_115 = vector.broadcast %neg3A_114 : f32 to vector<256x1xf32>
    %neg3A_116 = arith.subf %neg3A_115, %add3A_113 : vector<256x1xf32>
    %concatenate3A_117 = tpu.concatenate %neg3A_106, %neg3A_116 in 1 : vector<256x1xf32>, vector<256x1xf32> -> vector<256x2xf32>
    %swap3A = arith.constant 0 : index
    %swap3A_118 = arith.constant 0 : index
    %swap3A_119 = vector.load %arg17[%swap3A, %swap3A_118] : memref<256x2xf32, #tpu.memory_space<vmem>>, vector<256x2xf32>
    tpu.vector_store %arg17[%swap3A, %swap3A_118], %concatenate3A_117 {strides = array<i32>} : memref<256x2xf32, #tpu.memory_space<vmem>>, vector<256x2xf32>,
    return
  }
  func.func @transform_0(%arg0: i32) -> (i32, i32) {
    %c0_i32 = arith.constant 0 : i32
    %c0_i32_0 = arith.constant 0 : i32
    return %arg0, %c0_i32 : i32, i32
  }
  func.func @transform_1(%arg0: i32) -> (i32, i32) {
    %c0_i32 = arith.constant 0 : i32
    %c0_i32_0 = arith.constant 0 : i32
    return %arg0, %c0_i32 : i32, i32
  }
  func.func @transform_2(%arg0: i32) -> (i32, i32) {
    %add3A = arith.constant 0 : i32
    %add3A_0 = arith.addi %arg0, %add3A : i32
    %c0_i32 = arith.constant 0 : i32
    %c0_i32_1 = arith.constant 0 : i32
    return %add3A_0, %c0_i32 : i32, i32
  }
  func.func @transform_3(%arg0: i32) -> (i32, i32) {
    %add3A = arith.constant 0 : i32
    %add3A_0 = arith.addi %arg0, %add3A : i32
    %c0_i32 = arith.constant 0 : i32
    %c0_i32_1 = arith.constant 0 : i32
    return %add3A_0, %c0_i32 : i32, i32
  }
  func.func @transform_4(%arg0: i32) -> (i32, i32) {
    %c0_i32 = arith.constant 0 : i32
    %c0_i32_0 = arith.constant 0 : i32
    %c0_i32_1 = arith.constant 0 : i32
    return %c0_i32, %c0_i32_0 : i32, i32
  }
  func.func @transform_5(%arg0: i32) -> (i32, i32) {
    %c0_i32 = arith.constant 0 : i32
    %c0_i32_0 = arith.constant 0 : i32
    %c0_i32_1 = arith.constant 0 : i32
    return %c0_i32, %c0_i32_0 : i32, i32
  }
  func.func @transform_6(%arg0: i32) -> (i32, i32) {
    %c0_i32 = arith.constant 0 : i32
    %c0_i32_0 = arith.constant 0 : i32
    %c0_i32_1 = arith.constant 0 : i32
    return %c0_i32, %c0_i32_0 : i32, i32
  }
  func.func @transform_7(%arg0: i32) -> (i32, i32) {
    %c0_i32 = arith.constant 0 : i32
    %c0_i32_0 = arith.constant 0 : i32
    %c0_i32_1 = arith.constant 0 : i32
    return %c0_i32, %c0_i32_0 : i32, i32
  }
  func.func @transform_8(%arg0: i32) -> (i32, i32) {
    %c0_i32 = arith.constant 0 : i32
    %c0_i32_0 = arith.constant 0 : i32
    %c0_i32_1 = arith.constant 0 : i32
    return %c0_i32, %c0_i32_0 : i32, i32
  }
  func.func @transform_9(%arg0: i32) -> (i32, i32) {
    %c0_i32 = arith.constant 0 : i32
    %c0_i32_0 = arith.constant 0 : i32
    %c0_i32_1 = arith.constant 0 : i32
    return %c0_i32, %c0_i32_0 : i32, i32
  }
  func.func @transform_10(%arg0: i32) -> (i32, i32) {
    %c0_i32 = arith.constant 0 : i32
    %c0_i32_0 = arith.constant 0 : i32
    %c0_i32_1 = arith.constant 0 : i32
    return %c0_i32, %c0_i32_0 : i32, i32
  }
  func.func @transform_11(%arg0: i32) -> (i32, i32) {
    %c0_i32 = arith.constant 0 : i32
    %c0_i32_0 = arith.constant 0 : i32
    %c0_i32_1 = arith.constant 0 : i32
    return %c0_i32, %c0_i32_0 : i32, i32
  }
  func.func @transform_12(%arg0: i32) -> (i32, i32) {
    %c0_i32 = arith.constant 0 : i32
    %c0_i32_0 = arith.constant 0 : i32
    %c0_i32_1 = arith.constant 0 : i32
    return %c0_i32, %c0_i32_0 : i32, i32
  }
  func.func @transform_13(%arg0: i32) -> (i32, i32) {
    %c0_i32 = arith.constant 0 : i32
    %c0_i32_0 = arith.constant 0 : i32
    %c0_i32_1 = arith.constant 0 : i32
    return %c0_i32, %c0_i32_0 : i32, i32
  }
  func.func @transform_14(%arg0: i32) -> (i32, i32) {
    %c0_i32 = arith.constant 0 : i32
    %c0_i32_0 = arith.constant 0 : i32
    %c0_i32_1 = arith.constant 0 : i32
    return %c0_i32, %c0_i32_0 : i32, i32
  }
  func.func @transform_15(%arg0: i32) -> (i32, i32) {
    %c0_i32 = arith.constant 0 : i32
    %c0_i32_0 = arith.constant 0 : i32
    %c0_i32_1 = arith.constant 0 : i32
    return %c0_i32, %c0_i32_0 : i32, i32
  }
  func.func @transform_16(%arg0: i32) -> (i32, i32) {
    %c0_i32 = arith.constant 0 : i32
    %c0_i32_0 = arith.constant 0 : i32
    return %arg0, %c0_i32 : i32, i32
  }
}

module attributes {stable_mosaic.version = 14 : i64} {
  func.func @_mlp_body(%arg0: i32, %arg1: memref<8192x16xf32, #tpu.memory_space<vmem>>, %arg2: memref<256x32xi32, #tpu.memory_space<vmem>>, %arg3: memref<256x4xf32, #tpu.memory_space<vmem>>, %arg4: memref<256x2xf32, #tpu.memory_space<vmem>>, %arg5: memref<5x64xf32, #tpu.memory_space<vmem>>, %arg6: memref<1x64xf32, #tpu.memory_space<vmem>>, %arg7: memref<64x128xf32, #tpu.memory_space<vmem>>, %arg8: memref<1x128xf32, #tpu.memory_space<vmem>>, %arg9: memref<132x64xf32, #tpu.memory_space<vmem>>, %arg10: memref<1x64xf32, #tpu.memory_space<vmem>>, %arg11: memref<64x128xf32, #tpu.memory_space<vmem>>, %arg12: memref<1x128xf32, #tpu.memory_space<vmem>>, %arg13: memref<128x64xf32, #tpu.memory_space<vmem>>, %arg14: memref<1x64xf32, #tpu.memory_space<vmem>>, %arg15: memref<64x4xf32, #tpu.memory_space<vmem>>, %arg16: memref<1x4xf32, #tpu.memory_space<vmem>>, %arg17: memref<256x2xf32, #tpu.memory_space<vmem>>) attributes {dimension_semantics = [#tpu.dimension_semantics<arbitrary>], iteration_bounds = array<i64: 8>, scalar_prefetch = 0 : i64, scratch_operands = 0 : i64, tpu.core_type = #tpu.core_type<tc>, window_params = [{transform_indices = @transform_0, window_bounds = array<i64: 8192, 16>}, {transform_indices = @transform_1, window_bounds = array<i64: 256, 32>}, {transform_indices = @transform_2, window_bounds = array<i64: 256, 4>}, {transform_indices = @transform_3, window_bounds = array<i64: 256, 2>}, {pipeline_mode = #tpu.pipeline_mode<synchronous>, transform_indices = @transform_4, window_bounds = array<i64: 5, 64>}, {pipeline_mode = #tpu.pipeline_mode<synchronous>, transform_indices = @transform_5, window_bounds = array<i64: 1, 64>}, {pipeline_mode = #tpu.pipeline_mode<synchronous>, transform_indices = @transform_6, window_bounds = array<i64: 64, 128>}, {pipeline_mode = #tpu.pipeline_mode<synchronous>, transform_indices = @transform_7, window_bounds = array<i64: 1, 128>}, {pipeline_mode = #tpu.pipeline_mode<synchronous>, transform_indices = @transform_8, window_bounds = array<i64: 132, 64>}, {pipeline_mode = #tpu.pipeline_mode<synchronous>, transform_indices = @transform_9, window_bounds = array<i64: 1, 64>}, {pipeline_mode = #tpu.pipeline_mode<synchronous>, transform_indices = @transform_10, window_bounds = array<i64: 64, 128>}, {pipeline_mode = #tpu.pipeline_mode<synchronous>, transform_indices = @transform_11, window_bounds = array<i64: 1, 128>}, {pipeline_mode = #tpu.pipeline_mode<synchronous>, transform_indices = @transform_12, window_bounds = array<i64: 128, 64>}, {pipeline_mode = #tpu.pipeline_mode<synchronous>, transform_indices = @transform_13, window_bounds = array<i64: 1, 64>}, {pipeline_mode = #tpu.pipeline_mode<synchronous>, transform_indices = @transform_14, window_bounds = array<i64: 64, 4>}, {pipeline_mode = #tpu.pipeline_mode<synchronous>, transform_indices = @transform_15, window_bounds = array<i64: 1, 4>}, {transform_indices = @transform_16, window_bounds = array<i64: 256, 2>}]} {
    %get3A = arith.constant 0 : index
    %get3A_0 = arith.constant 0 : index
    %get3A_1 = vector.load %arg3[%get3A, %get3A_0] : memref<256x4xf32, #tpu.memory_space<vmem>>, vector<256x4xf32>
    %get3A_2 = arith.constant 0 : index
    %get3A_3 = arith.constant 0 : index
    %get3A_4 = vector.load %arg4[%get3A_2, %get3A_3] : memref<256x2xf32, #tpu.memory_space<vmem>>, vector<256x2xf32>
    %get3A_5 = arith.constant 0 : index
    %get3A_6 = arith.constant 0 : index
    %get3A_7 = vector.load %arg1[%get3A_5, %get3A_6] : memref<8192x16xf32, #tpu.memory_space<vmem>>, vector<8192x16xf32>
    %reshape3A = vector.shape_cast %get3A_7 : vector<8192x16xf32> to vector<256x32x16xf32>
    %slice3A = vector.extract_strided_slice %reshape3A {offsets = [0, 0, 5], sizes = [256, 32, 1], strides = [1, 1, 1]} : vector<256x32x16xf32> to vector<256x32x1xf32>
    %squeeze3A = vector.shape_cast %slice3A : vector<256x32x1xf32> to vector<256x32xf32>
    %slice3A_8 = vector.extract_strided_slice %reshape3A {offsets = [0, 0, 0], sizes = [256, 32, 5], strides = [1, 1, 1]} : vector<256x32x16xf32> to vector<256x32x5xf32>
    %reshape3A_9 = vector.shape_cast %slice3A_8 : vector<256x32x5xf32> to vector<8192x5xf32>
    %get3A_10 = arith.constant 0 : index
    %get3A_11 = arith.constant 0 : index
    %get3A_12 = vector.load %arg5[%get3A_10, %get3A_11] : memref<5x64xf32, #tpu.memory_space<vmem>>, vector<5x64xf32>
    %dot_general3A = arith.constant dense<0.000000e+00> : vector<8192x64xf32>
    %dot_general3A_13 = tpu.matmul %reshape3A_9, %get3A_12, %dot_general3A {dimension_numbers = #tpu.dot_dimension_numbers<[1], [0], [0], [1], [0, 0, 1, 1], [], []>, transpose_lhs_hint = false} : vector<8192x5xf32>, vector<5x64xf32>, vector<8192x64xf32> -> vector<8192x64xf32>
    %get3A_14 = arith.constant 0 : index
    %get3A_15 = arith.constant 0 : index
    %get3A_16 = vector.load %arg6[%get3A_14, %get3A_15] : memref<1x64xf32, #tpu.memory_space<vmem>>, vector<1x64xf32>
    %add3A = vector.broadcast %get3A_16 : vector<1x64xf32> to vector<8192x64xf32>
    %add3A_17 = arith.addf %dot_general3A_13, %add3A : vector<8192x64xf32>
    %max3A = arith.constant 0.000000e+00 : f32
    %max3A_18 = vector.broadcast %max3A : f32 to vector<8192x64xf32>
    %max3A_19 = arith.maximumf %add3A_17, %max3A_18 : vector<8192x64xf32>
    %get3A_20 = arith.constant 0 : index
    %get3A_21 = arith.constant 0 : index
    %get3A_22 = vector.load %arg7[%get3A_20, %get3A_21] : memref<64x128xf32, #tpu.memory_space<vmem>>, vector<64x128xf32>
    %dot_general3A_23 = arith.constant dense<0.000000e+00> : vector<8192x128xf32>
    %dot_general3A_24 = tpu.matmul %max3A_19, %get3A_22, %dot_general3A_23 {dimension_numbers = #tpu.dot_dimension_numbers<[1], [0], [0], [1], [0, 0, 1, 1], [], []>, transpose_lhs_hint = false} : vector<8192x64xf32>, vector<64x128xf32>, vector<8192x128xf32> -> vector<8192x128xf32>
    %get3A_25 = arith.constant 0 : index
    %get3A_26 = arith.constant 0 : index
    %get3A_27 = vector.load %arg8[%get3A_25, %get3A_26] : memref<1x128xf32, #tpu.memory_space<vmem>>, vector<1x128xf32>
    %add3A_28 = vector.broadcast %get3A_27 : vector<1x128xf32> to vector<8192x128xf32>
    %add3A_29 = arith.addf %dot_general3A_24, %add3A_28 : vector<8192x128xf32>
    %max3A_30 = arith.constant 0.000000e+00 : f32
    %max3A_31 = vector.broadcast %max3A_30 : f32 to vector<8192x128xf32>
    %max3A_32 = arith.maximumf %add3A_29, %max3A_31 : vector<8192x128xf32>
    %reshape3A_33 = vector.shape_cast %max3A_32 : vector<8192x128xf32> to vector<256x32x128xf32>
    %broadcast_in_dim3A = vector.shape_cast %squeeze3A : vector<256x32xf32> to vector<256x32x1xf32>
    %mul3A = vector.broadcast %broadcast_in_dim3A : vector<256x32x1xf32> to vector<256x32x128xf32>
    %mul3A_34 = arith.mulf %reshape3A_33, %mul3A : vector<256x32x128xf32>
    %reduce_max3A = arith.constant dense<0xFF800000> : vector<256x128xf32>
    %reduce_max3A_35 = vector.multi_reduction <maximumf>, %mul3A_34, %reduce_max3A [1] : vector<256x32x128xf32> to vector<256x128xf32>
    %slice3A_36 = vector.extract_strided_slice %get3A_1 {offsets = [0, 0], sizes = [256, 2], strides = [1, 1]} : vector<256x4xf32> to vector<256x2xf32>
    %sub3A = arith.subf %slice3A_36, %get3A_4 : vector<256x2xf32>
    %slice3A_37 = vector.extract_strided_slice %get3A_1 {offsets = [0, 2], sizes = [256, 2], strides = [1, 1]} : vector<256x4xf32> to vector<256x2xf32>
    %concatenate3A = tpu.concatenate %reduce_max3A_35, %sub3A, %slice3A_37 in 1 : vector<256x128xf32>, vector<256x2xf32>, vector<256x2xf32> -> vector<256x132xf32>
    %get3A_38 = arith.constant 0 : index
    %get3A_39 = arith.constant 0 : index
    %get3A_40 = vector.load %arg9[%get3A_38, %get3A_39] : memref<132x64xf32, #tpu.memory_space<vmem>>, vector<132x64xf32>
    %dot_general3A_41 = arith.constant dense<0.000000e+00> : vector<256x64xf32>
    %dot_general3A_42 = tpu.matmul %concatenate3A, %get3A_40, %dot_general3A_41 {dimension_numbers = #tpu.dot_dimension_numbers<[1], [0], [0], [1], [0, 0, 1, 1], [], []>, transpose_lhs_hint = false} : vector<256x132xf32>, vector<132x64xf32>, vector<256x64xf32> -> vector<256x64xf32>
    %get3A_43 = arith.constant 0 : index
    %get3A_44 = arith.constant 0 : index
    %get3A_45 = vector.load %arg10[%get3A_43, %get3A_44] : memref<1x64xf32, #tpu.memory_space<vmem>>, vector<1x64xf32>
    %add3A_46 = vector.broadcast %get3A_45 : vector<1x64xf32> to vector<256x64xf32>
    %add3A_47 = arith.addf %dot_general3A_42, %add3A_46 : vector<256x64xf32>
    %max3A_48 = arith.constant 0.000000e+00 : f32
    %max3A_49 = vector.broadcast %max3A_48 : f32 to vector<256x64xf32>
    %max3A_50 = arith.maximumf %add3A_47, %max3A_49 : vector<256x64xf32>
    %get3A_51 = arith.constant 0 : index
    %get3A_52 = arith.constant 0 : index
    %get3A_53 = vector.load %arg11[%get3A_51, %get3A_52] : memref<64x128xf32, #tpu.memory_space<vmem>>, vector<64x128xf32>
    %dot_general3A_54 = arith.constant dense<0.000000e+00> : vector<256x128xf32>
    %dot_general3A_55 = tpu.matmul %max3A_50, %get3A_53, %dot_general3A_54 {dimension_numbers = #tpu.dot_dimension_numbers<[1], [0], [0], [1], [0, 0, 1, 1], [], []>, transpose_lhs_hint = false} : vector<256x64xf32>, vector<64x128xf32>, vector<256x128xf32> -> vector<256x128xf32>
    %get3A_56 = arith.constant 0 : index
    %get3A_57 = arith.constant 0 : index
    %get3A_58 = vector.load %arg12[%get3A_56, %get3A_57] : memref<1x128xf32, #tpu.memory_space<vmem>>, vector<1x128xf32>
    %add3A_59 = vector.broadcast %get3A_58 : vector<1x128xf32> to vector<256x128xf32>
    %add3A_60 = arith.addf %dot_general3A_55, %add3A_59 : vector<256x128xf32>
    %max3A_61 = arith.constant 0.000000e+00 : f32
    %max3A_62 = vector.broadcast %max3A_61 : f32 to vector<256x128xf32>
    %max3A_63 = arith.maximumf %add3A_60, %max3A_62 : vector<256x128xf32>
    %get3A_64 = arith.constant 0 : index
    %get3A_65 = arith.constant 0 : index
    %get3A_66 = vector.load %arg13[%get3A_64, %get3A_65] : memref<128x64xf32, #tpu.memory_space<vmem>>, vector<128x64xf32>
    %dot_general3A_67 = arith.constant dense<0.000000e+00> : vector<256x64xf32>
    %dot_general3A_68 = tpu.matmul %max3A_63, %get3A_66, %dot_general3A_67 {dimension_numbers = #tpu.dot_dimension_numbers<[1], [0], [0], [1], [0, 0, 1, 1], [], []>, transpose_lhs_hint = false} : vector<256x128xf32>, vector<128x64xf32>, vector<256x64xf32> -> vector<256x64xf32>
    %get3A_69 = arith.constant 0 : index
    %get3A_70 = arith.constant 0 : index
    %get3A_71 = vector.load %arg14[%get3A_69, %get3A_70] : memref<1x64xf32, #tpu.memory_space<vmem>>, vector<1x64xf32>
    %add3A_72 = vector.broadcast %get3A_71 : vector<1x64xf32> to vector<256x64xf32>
    %add3A_73 = arith.addf %dot_general3A_68, %add3A_72 : vector<256x64xf32>
    %max3A_74 = arith.constant 0.000000e+00 : f32
    %max3A_75 = vector.broadcast %max3A_74 : f32 to vector<256x64xf32>
    %max3A_76 = arith.maximumf %add3A_73, %max3A_75 : vector<256x64xf32>
    %get3A_77 = arith.constant 0 : index
    %get3A_78 = arith.constant 0 : index
    %get3A_79 = vector.load %arg15[%get3A_77, %get3A_78] : memref<64x4xf32, #tpu.memory_space<vmem>>, vector<64x4xf32>
    %dot_general3A_80 = arith.constant dense<0.000000e+00> : vector<256x4xf32>
    %dot_general3A_81 = tpu.matmul %max3A_76, %get3A_79, %dot_general3A_80 {dimension_numbers = #tpu.dot_dimension_numbers<[1], [0], [0], [1], [0, 0, 1, 1], [], []>, transpose_lhs_hint = false} : vector<256x64xf32>, vector<64x4xf32>, vector<256x4xf32> -> vector<256x4xf32>
    %get3A_82 = arith.constant 0 : index
    %get3A_83 = arith.constant 0 : index
    %get3A_84 = vector.load %arg16[%get3A_82, %get3A_83] : memref<1x4xf32, #tpu.memory_space<vmem>>, vector<1x4xf32>
    %add3A_85 = vector.broadcast %get3A_84 : vector<1x4xf32> to vector<256x4xf32>
    %add3A_86 = arith.addf %dot_general3A_81, %add3A_85 : vector<256x4xf32>
    %logistic3A = arith.negf %add3A_86 : vector<256x4xf32>
    %logistic3A_87 = math.exp %logistic3A : vector<256x4xf32>
    %logistic3A_88 = arith.constant 1.000000e+00 : f32
    %logistic3A_89 = vector.broadcast %logistic3A_88 : f32 to vector<256x4xf32>
    %logistic3A_90 = arith.addf %logistic3A_89, %logistic3A_87 : vector<256x4xf32>
    %logistic3A_91 = arith.divf %logistic3A_89, %logistic3A_90 : vector<256x4xf32>
    %mul3A_92 = arith.constant 2.000000e+00 : f32
    %mul3A_93 = vector.broadcast %mul3A_92 : f32 to vector<256x4xf32>
    %mul3A_94 = arith.mulf %mul3A_93, %logistic3A_91 : vector<256x4xf32>
    %add3A_95 = arith.constant 2.000000e-01 : f32
    %add3A_96 = vector.broadcast %add3A_95 : f32 to vector<256x4xf32>
    %add3A_97 = arith.addf %mul3A_94, %add3A_96 : vector<256x4xf32>
    %slice3A_98 = vector.extract_strided_slice %add3A_97 {offsets = [0, 0], sizes = [256, 1], strides = [1, 1]} : vector<256x4xf32> to vector<256x1xf32>
    %slice3A_99 = vector.extract_strided_slice %sub3A {offsets = [0, 0], sizes = [256, 1], strides = [1, 1]} : vector<256x2xf32> to vector<256x1xf32>
    %mul3A_100 = arith.mulf %slice3A_98, %slice3A_99 : vector<256x1xf32>
    %slice3A_101 = vector.extract_strided_slice %add3A_97 {offsets = [0, 1], sizes = [256, 1], strides = [1, 1]} : vector<256x4xf32> to vector<256x1xf32>
    %slice3A_102 = vector.extract_strided_slice %slice3A_37 {offsets = [0, 0], sizes = [256, 1], strides = [1, 1]} : vector<256x2xf32> to vector<256x1xf32>
    %mul3A_103 = arith.mulf %slice3A_101, %slice3A_102 : vector<256x1xf32>
    %add3A_104 = arith.addf %mul3A_100, %mul3A_103 : vector<256x1xf32>
    %neg3A = arith.constant 0.000000e+00 : f32
    %neg3A_105 = vector.broadcast %neg3A : f32 to vector<256x1xf32>
    %neg3A_106 = arith.subf %neg3A_105, %add3A_104 : vector<256x1xf32>
    %slice3A_107 = vector.extract_strided_slice %add3A_97 {offsets = [0, 2], sizes = [256, 1], strides = [1, 1]} : vector<256x4xf32> to vector<256x1xf32>
    %slice3A_108 = vector.extract_strided_slice %sub3A {offsets = [0, 1], sizes = [256, 1], strides = [1, 1]} : vector<256x2xf32> to vector<256x1xf32>
    %mul3A_109 = arith.mulf %slice3A_107, %slice3A_108 : vector<256x1xf32>
    %slice3A_110 = vector.extract_strided_slice %add3A_97 {offsets = [0, 3], sizes = [256, 1], strides = [1, 1]} : vector<256x4xf32> to vector<256x1xf32>
    %slice3A_111 = vector.extract_strided_slice %slice3A_37 {offsets = [0, 1], sizes = [256, 1], strides = [1, 1]} : vector<256x2xf32> to vector<256x1xf32>
    %mul3A_112 = arith.mulf %slice3A_110, %slice3A_111 : vector<256x1xf32>
    %add3A_113 = arith.addf %mul3A_109, %mul3A_112 : vector<256x1xf32>
    %neg3A_114 = arith.constant 0.000000e+00 : f32
    %neg3A_115 = vector.broadcast %neg3A_114 : f32 to vector<256x1xf32>
    %neg3A_116 = arith.subf %neg3A_115, %add3A_113 : vector<256x1xf32>
    %concatenate3A_117 = tpu.concatenate %neg3A_106, %neg3A_116 in 1 : vector<256x1xf32>, vector<256x1xf32> -> vector<256x2xf32>
    %swap3A = arith.constant 0 : index
    %swap3A_118 = arith.constant 0 : index
    %swap3A_119 = vector.load %arg17[%swap3A, %swap3A_118] : memref<256x2xf32, #tpu.memory_space<vmem>>, vector<256x2xf32>
    tpu.vector_store %arg17[%swap3A, %swap3A_118], %concatenate3A_117 {strides = array<i32>} : memref<256x2xf32, #tpu.memory_space<vmem>>, vector<256x2xf32>,
    return
  }
  func.func @transform_0(%arg0: i32) -> (i32, i32) {
    %c0_i32 = arith.constant 0 : i32
    %c0_i32_0 = arith.constant 0 : i32
    return %arg0, %c0_i32 : i32, i32
  }
  func.func @transform_1(%arg0: i32) -> (i32, i32) {
    %c0_i32 = arith.constant 0 : i32
    %c0_i32_0 = arith.constant 0 : i32
    return %arg0, %c0_i32 : i32, i32
  }
  func.func @transform_2(%arg0: i32) -> (i32, i32) {
    %add3A = arith.constant 8 : i32
    %add3A_0 = arith.addi %arg0, %add3A : i32
    %c0_i32 = arith.constant 0 : i32
    %c0_i32_1 = arith.constant 0 : i32
    return %add3A_0, %c0_i32 : i32, i32
  }
  func.func @transform_3(%arg0: i32) -> (i32, i32) {
    %add3A = arith.constant 8 : i32
    %add3A_0 = arith.addi %arg0, %add3A : i32
    %c0_i32 = arith.constant 0 : i32
    %c0_i32_1 = arith.constant 0 : i32
    return %add3A_0, %c0_i32 : i32, i32
  }
  func.func @transform_4(%arg0: i32) -> (i32, i32) {
    %c0_i32 = arith.constant 0 : i32
    %c0_i32_0 = arith.constant 0 : i32
    %c0_i32_1 = arith.constant 0 : i32
    return %c0_i32, %c0_i32_0 : i32, i32
  }
  func.func @transform_5(%arg0: i32) -> (i32, i32) {
    %c0_i32 = arith.constant 0 : i32
    %c0_i32_0 = arith.constant 0 : i32
    %c0_i32_1 = arith.constant 0 : i32
    return %c0_i32, %c0_i32_0 : i32, i32
  }
  func.func @transform_6(%arg0: i32) -> (i32, i32) {
    %c0_i32 = arith.constant 0 : i32
    %c0_i32_0 = arith.constant 0 : i32
    %c0_i32_1 = arith.constant 0 : i32
    return %c0_i32, %c0_i32_0 : i32, i32
  }
  func.func @transform_7(%arg0: i32) -> (i32, i32) {
    %c0_i32 = arith.constant 0 : i32
    %c0_i32_0 = arith.constant 0 : i32
    %c0_i32_1 = arith.constant 0 : i32
    return %c0_i32, %c0_i32_0 : i32, i32
  }
  func.func @transform_8(%arg0: i32) -> (i32, i32) {
    %c0_i32 = arith.constant 0 : i32
    %c0_i32_0 = arith.constant 0 : i32
    %c0_i32_1 = arith.constant 0 : i32
    return %c0_i32, %c0_i32_0 : i32, i32
  }
  func.func @transform_9(%arg0: i32) -> (i32, i32) {
    %c0_i32 = arith.constant 0 : i32
    %c0_i32_0 = arith.constant 0 : i32
    %c0_i32_1 = arith.constant 0 : i32
    return %c0_i32, %c0_i32_0 : i32, i32
  }
  func.func @transform_10(%arg0: i32) -> (i32, i32) {
    %c0_i32 = arith.constant 0 : i32
    %c0_i32_0 = arith.constant 0 : i32
    %c0_i32_1 = arith.constant 0 : i32
    return %c0_i32, %c0_i32_0 : i32, i32
  }
  func.func @transform_11(%arg0: i32) -> (i32, i32) {
    %c0_i32 = arith.constant 0 : i32
    %c0_i32_0 = arith.constant 0 : i32
    %c0_i32_1 = arith.constant 0 : i32
    return %c0_i32, %c0_i32_0 : i32, i32
  }
  func.func @transform_12(%arg0: i32) -> (i32, i32) {
    %c0_i32 = arith.constant 0 : i32
    %c0_i32_0 = arith.constant 0 : i32
    %c0_i32_1 = arith.constant 0 : i32
    return %c0_i32, %c0_i32_0 : i32, i32
  }
  func.func @transform_13(%arg0: i32) -> (i32, i32) {
    %c0_i32 = arith.constant 0 : i32
    %c0_i32_0 = arith.constant 0 : i32
    %c0_i32_1 = arith.constant 0 : i32
    return %c0_i32, %c0_i32_0 : i32, i32
  }
  func.func @transform_14(%arg0: i32) -> (i32, i32) {
    %c0_i32 = arith.constant 0 : i32
    %c0_i32_0 = arith.constant 0 : i32
    %c0_i32_1 = arith.constant 0 : i32
    return %c0_i32, %c0_i32_0 : i32, i32
  }
  func.func @transform_15(%arg0: i32) -> (i32, i32) {
    %c0_i32 = arith.constant 0 : i32
    %c0_i32_0 = arith.constant 0 : i32
    %c0_i32_1 = arith.constant 0 : i32
    return %c0_i32, %c0_i32_0 : i32, i32
  }
  func.func @transform_16(%arg0: i32) -> (i32, i32) {
    %c0_i32 = arith.constant 0 : i32
    %c0_i32_0 = arith.constant 0 : i32
    return %arg0, %c0_i32 : i32, i32
  }
}

</mosaic_0001>

<sc_bundles>
// kernel: kernel.11.cloned.1.call-start
scs
__scs_entry_jumppad:
0x0: {  	(pc) =	sbr.rel $0x88, $3  }
0x1: {  	(tag) =	ssettag $0x0;
	lr =	simm.s32 $0x1  }
0x2: {  	[smem:$0x3F93] =	sst lr;
	_ =	strace $0xD0000000  }
0x3: {  	_ = 	snop  }
0x4: {  	_ = 	snop  }
0x5: {  	_ = 	snop  }
0x6: {  	_ = 	snop  }
0x7: {  	_ = 	snop  }
__scs_overlays_trampoline_lowered:
0x8: {  	[smem:$0x3FA2] =	sst s0  }
0x9: {  	[smem:$0x3FA3] =	sst s1  }
0xa: {  	[smem:$0x3FA4] =	sst s2  }
0xb: {  	[smem:$0x3FA5] =	sst s3  }
0xc: {  	[smem:$0x3FA6] =	sst s4  }
0xd: {  	[smem:$0x3FA7] =	sst s5  }
0xe: {  	[smem:$0x3FA8] =	sst s6  }
0xf: {  	[smem:$0x3FA9] =	sst s7  }
0x10: {  	[smem:$0x3FAA] =	sst s8  }
0x11: {  	[smem:$0x3FAB] =	sst s9;
	s0 =	simm.s32 @!p0 $0x0  }
0x12: {  	s1 =	sld [smem:$0x3F91];
	s0 =	simm.s32 @p0 $0x1  }
0x13: {  	[smem:$0x3FAC] =	sst s0;
	s0 =	simm.s32 @!p1 $0x0  }
0x14: {  	s2 =	sld [smem:$0x3F90];
	s0 =	simm.s32 @p1 $0x1  }
0x15: {  	[smem:$0x3FAD] =	sst s0;
	s0 =	simm.s32 @!p2 $0x0  }
0x16: {  	s3 =	sld [smem:$0x3FDB];
	s0 =	simm.s32 @p2 $0x1  }
0x17: {  	s4 =	simm.s32 $0x1BF5;
	[smem:$0x3FAF] =	sst s0  }
0x18: {  	s0 =	sld [smem:$0x3F92];
	_ =	swait.ge [sflag:s4], $0x0  }
0x19: {  	s7 =	sld [smem:$0x3F93]  }
0x1a: {  	s8 =	sadd.s32 $0xFFFFE003, lr  }
0x1b: {  	s9 =	sadd.s32 $0xFFFFFEF7, lr;
	s5 =	simm.s32 $0xFFFFFFFF;
	p2 =	slt.u32 s8, $0xFFFFF086  }
0x1c: {  	p1 =	slt.u32 s9, $0xF7A;
	s5 =	simm.s32 @!p2 $0x0  }
0x1d: {  	s5 =	simm.s32 @p1 $0x1;
	p0 =	seq.s32 s7, s2  }
0x1e: {  	s7 =	smul.u32 @!p0 $0xF7A, s2;
	p2 =	seq.s32 @!p0 s5, $0x0  }
0x1f: {  	s9 =	smul.u32 $0xF7A, s1;
	s8 =	simm.s32 @!p0 $0x1BF5;
	p2 =	por !p2, p0  }
0x20: {  	[sflag:s8] =	ssyncset.s32 @!p0 $0xFFFFF086;
	s6 =	sadd.s32 @!p0 s3, s7;
	s7 =	simm.s32 @!p0 $0x108  }
0x21: {  	s3 =	sadd.s32 s3, s9;
	s6 =	sadd.s32 @!p0 $0x88, s6;
	s7 =	simm.s32 @p2 $0x1082  }
0x22: {  	[simem:s7], [sflag:s8] =	dma.local @!p0 [hbm:s6], $0xF7A  }
0x23: {  	s9 =	sor.u32 $0xD0000000, s2;
	s6 =	simm.s32 $0x108;
	_ =	swait.ge @!p0 [sflag:s8], $0x0  }
0x24: {  	s3 =	sadd.s32 $0x88, s3;
	s6 =	simm.s32 @!p1 $0x1082;
	[sflag:s4] =	ssyncset.s32 $0xFFFFF086  }
0x25: {  	[simem:s6], [sflag:s4] =	dma.local [hbm:s3], $0xF7A  }
0x26: {  	[smem:$0x3F93] =	sst s1;
	(tag) =	ssettag s2;
	_ =	strace s9  }
0x27: {  	s1 =	sld [smem:$0x3FA3]  }
0x28: {  	s2 =	sld [smem:$0x3FA4]  }
0x29: {  	s4 =	sld [smem:$0x3FA6]  }
0x2a: {  	p0 =	seq.s32 s5, $0x0;
	s5 =	sld [smem:$0x3FA7]  }
0x2b: {  	s6 =	sld [smem:$0x3FA8]  }
0x2c: {  	s7 =	sld [smem:$0x3FA9]  }
0x2d: {  	s3 =	simm.s32 $0x108;
	s8 =	sld [smem:$0x3FAA]  }
0x2e: {  	s3 =	simm.s32 @!p0 $0x1082;
	s9 =	sld [smem:$0x3FAB]  }
0x2f: {  	lr =	sadd.s32 s0, s3;
	s0 =	sld [smem:$0x3FA2]  }
0x30: {  	s3 =	sld [smem:$0x3FA5]  }
0x31: {  	[smem:$0x3FAE] =	sst s10  }
0x32: {  	s10 =	sld [smem:$0x3FAC];
	_ =	sdelay $0x3  }
0x33: {  	p0 =	seq.s32 s10, $0x1;
	s10 =	sld [smem:$0x3FAE];
	_ =	sdelay $0x3  }
0x34: {  	[smem:$0x3FAE] =	sst s10  }
0x35: {  	s10 =	sld [smem:$0x3FAD];
	_ =	sdelay $0x3  }
0x36: {  	p1 =	seq.s32 s10, $0x1;
	s10 =	sld [smem:$0x3FAE];
	_ =	sdelay $0x3  }
0x37: {  	[smem:$0x3FAE] =	sst s10  }
0x38: {  	s10 =	sld [smem:$0x3FAF]  }
0x39: {  	_ = 	snop;
	(pc) =	sbr.ind lr, $3  }
0x3a: {  	_ = 	snop  }
0x3b: {  	_ = 	snop  }
0x3c: {  	p2 =	seq.s32 s10, $0x1;
	s10 =	sld [smem:$0x3FAE]  }
0x3d: {  	_ =	shalt  }
0x3e: {  	_ =	shalt  }
0x3f: {  	_ =	shalt  }
0x40: {  	_ =	shalt  }
0x41: {  	_ =	shalt  }
0x42: {  	_ =	shalt  }
0x43: {  	_ =	shalt  }
0x44: {  	_ =	shalt  }
0x45: {  	_ =	shalt  }
0x46: {  	_ =	shalt  }
0x47: {  	_ =	shalt  }
0x48: {  	_ =	shalt  }
0x49: {  	_ =	shalt  }
0x4a: {  	_ =	shalt  }
0x4b: {  	_ =	shalt  }
0x4c: {  	_ =	shalt  }
0x4d: {  	_ =	shalt  }
0x4e: {  	_ =	shalt  }
0x4f: {  	_ =	shalt  }
0x50: {  	_ =	shalt  }
0x51: {  	_ =	shalt  }
0x52: {  	_ =	shalt  }
0x53: {  	_ =	shalt  }
0x54: {  	_ =	shalt  }
0x55: {  	_ =	shalt  }
0x56: {  	_ =	shalt  }
0x57: {  	_ =	shalt  }
0x58: {  	_ =	shalt  }
0x59: {  	_ =	shalt  }
0x5a: {  	_ =	shalt  }
0x5b: {  	_ =	shalt  }
0x5c: {  	_ =	shalt  }
0x5d: {  	_ =	shalt  }
0x5e: {  	_ =	shalt  }
0x5f: {  	_ =	shalt  }
0x60: {  	_ =	shalt  }
0x61: {  	_ =	shalt  }
0x62: {  	_ =	shalt  }
0x63: {  	_ =	shalt  }
0x64: {  	_ =	shalt  }
0x65: {  	_ =	shalt  }
0x66: {  	_ =	shalt  }
0x67: {  	_ =	shalt  }
0x68: {  	_ =	shalt  }
0x69: {  	_ =	shalt  }
0x6a: {  	_ =	shalt  }
0x6b: {  	_ =	shalt  }
0x6c: {  	_ =	shalt  }
0x6d: {  	_ =	shalt  }
0x6e: {  	_ =	shalt  }
0x6f: {  	_ =	shalt  }
0x70: {  	_ =	shalt  }
0x71: {  	_ =	shalt  }
0x72: {  	_ =	shalt  }
0x73: {  	_ =	shalt  }
0x74: {  	_ =	shalt  }
0x75: {  	_ =	shalt  }
0x76: {  	_ =	shalt  }
0x77: {  	_ =	shalt  }
0x78: {  	_ =	shalt  }
0x79: {  	_ =	shalt  }
0x7a: {  	_ =	shalt  }
0x7b: {  	_ =	shalt  }
0x7c: {  	_ =	shalt  }
0x7d: {  	_ =	shalt  }
0x7e: {  	_ =	shalt  }
0x7f: {  	_ =	shalt  }
0x80: {  	_ =	shalt  }
0x81: {  	_ =	shalt  }
0x82: {  	_ =	shalt  }
0x83: {  	_ =	shalt  }
0x84: {  	_ =	shalt  }
0x85: {  	_ =	shalt  }
0x86: {  	_ =	shalt  }
0x87: {  	_ =	shalt  }
.Lfunc_end0:
.L_simem_size_0:
called_computation.1_lowered:
.L_overlay_start_0:
0x88: {  	s2 =	sld [smem:$0x3FD9]  }
0x89: {  	s3 =	sld [smem:$0x3FFE];
	_ =	sdelay $0x1  }
0x8a: {  	s1 =	srdreg.scid  }
0x8b: {  	s0 =	sand.u32 $0x1, s1  }
0x8c: {  	s17 =	sshll.u32 s0, $0xA;
	s2 =	sadd.s32 s3, s2  }
0x8d: {  	s2 =	sadd.s32 s2, s17  }
0x8e: {  	[smem:$0x3FBA] =	sst s2  }
0x8f: {  	_ = 	snop  }
0x90: {  	(tm) =	ssettm $0x1  }
0x91: {  	s18 =	sld [smem:$0x3FFB];
	_ =	sdelay $0x3  }
0x92: {  	_ =	strace s18  }
0x93: {  	s2 =	sld [smem:$0x3FFC];
	_ =	sdelay $0x3  }
0x94: {  	_ =	strace s2  }
0x95: {  	s2 =	sld [smem:$0x3FFD];
	_ =	sdelay $0x3  }
0x96: {  	_ =	strace s2  }
0x97: {  	_ =	strace $0x8FFFFFFF  }
0x98: {  	s19 =	sld [smem:$0x3FDB];
	_ =	sdelay $0x1  }
0x99: {  	s20 =	simm.s32 $_scs_section_size  }
0x9a: {  	s4 =	simm.s32 $_size__tile_overlayer_lowered;
	s5 =	simm.s32 $_tile_overlayer_lowered  }
0x9b: {  	s6 =	simm.s32 $0x1BFF;
	s21 =	sshll.u32 s5, $0x1;
	s3 =	sadd.s32 s20, s19  }
0x9c: {  	s22 =	simm.s32 $0x0;
	s4 =	sshll.u32 s4, $0x1;
	s5 =	sadd.s32 s21, s3  }
0x9d: {  	[timem:s22], [sflag:s6] =	dma.local [hbm:s5], s4  }
0x9e: {  	_ =	swait.ge [sflag:s6], s4  }
0x9f: {  	s4 =	ssub.s32 $0x0, s4;
	[sflag:s6] =	ssyncset.done $0x0  }
0xa0: {  	[sflag:s6] =	ssyncadd.s32 s4;
	_ =	sdelay $0x1  }
0xa1: {  	s23 =	simm.s32 $0x1B8B  }
0xa2: {  	_ =	swait.ge [sflag:s23], $0x1  }
0xa3: {  	[sflag:s23] =	ssyncset.done $0x0  }
0xa4: {  	[sflag:s23] =	ssyncadd.s32 $0xFFFFFFFF  }
0xa5: {  	s4 =	sld [smem:$0x0]  }
0xa6: {  	s5 =	sand.u32 $0xFFFFFFFE, s1  }
0xa7: {  	p0 =	sne.s32 s1, s5  }
0xa8: {  	s5 =	sshll.u32 @p0 s5, $0xE  }
0xa9: {  	s5 =	sadd.s32 @p0 $0x11B8D, s5;
	s6 =	sshll.u32 @p0 s4, $0x11  }
0xaa: {  	s5 =	sor.u32 @p0 s6, s5  }
0xab: {  	[sflag:s5] =	ssyncadd.remote.s32 @p0 $0x1;
	_ =	sdelay $0x1  }
0xac: {  	s5 =	simm.s32 @p0 $0x1B8D  }
0xad: {  	_ =	swait.eq @p0 [sflag:s5], $0x1  }
0xae: {  	[sflag:s5] =	ssyncadd.s32 @p0 $0xFFFFFFFF  }
0xaf: {  	s6 =	sshll.u32 @!p0 s1, $0xE  }
0xb0: {  	s6 =	sor.u32 @!p0 $0x4000, s6;
	s5 =	simm.s32 @!p0 $0x1B8D  }
0xb1: {  	s4 =	sshll.u32 @!p0 s4, $0x11;
	s6 =	sadd.s32 @!p0 $0x11B8D, s6;
	_ =	swait.eq @!p0 [sflag:s5], $0x1  }
0xb2: {  	s4 =	sor.u32 @!p0 s4, s6;
	[sflag:s5] =	ssyncadd.s32 @!p0 $0xFFFFFFFF  }
0xb3: {  	s25 =	simm.s32 $0x1B8E;
	s24 =	sld [smem:$0x3FFE];
	[sflag:s4] =	ssyncadd.remote.s32 @!p0 $0x1  }
0xb4: {  	s26 =	simm.s32 $execute0_lowered;
	[smem:$0x3FD2] =	sst s25  }
0xb5: {  	s5 =	sshll.u32 s26, $0x1;
	_ =	strace $0x80000049;
	[dreg:$0x1] =	wrdreg $0xFFFFFFFF  }
0xb6: {  	s28 =	simm.s32 $_size_execute0_lowered;
	s3 =	sadd.s32 s3, s5;
	[dreg:$0x0] =	wrdreg $0x0  }
0xb7: {  	s5 =	sshll.u32 s28, $0x1;
	[dreg:$0x2] =	wrdreg s3  }
0xb8: {  	[dreg:$0x3] =	wrdreg s5  }
0xb9: {  	[dreg:$0x4] =	wrdreg $0xC0  }
0xba: {  	_ =	task [dreg:s22], $0x5FFFF  }
0xbb: {  	[dreg:$0x1] =	wrdreg $0xFFFFFFFF  }
0xbc: {  	[dreg:$0x0] =	wrdreg $0x60  }
0xbd: {  	[dreg:$0x2] =	wrdreg s24  }
0xbe: {  	[dreg:$0x3] =	wrdreg $0xA  }
0xbf: {  	_ =	task.clear_ibuf [dreg:s22], $0x4FFFF;
	_ =	strace $0x90000049  }
0xc0: {  	s29 =	simm.s32 $0xA;
	_ =	strace $0x8000004B  }
0xc1: {  	_ =	swait.ge [sflag:s29], $0x1  }
0xc2: {  	[sflag:s29] =	ssyncadd.s32 $0xFFFFFFFF  }
0xc3: {  	_ =	strace $0x9000004B  }
0xc4: {  	_ =	sfence  }
0xc5: {  	s30 =	sld [smem:$0x0];
	_ =	sdelay $0x2  }
0xc6: {  	s31 =	sshll.u32 s1, $0xD;
	s1 =	sshrl.u32 s1, $0x2  }
0xc7: {  	s4 =	sand.u32 $0x4000, s31;
	s1 =	sadd.s32 s1, s30  }
0xc8: {  	s0 =	sor.u32 s4, s0;
	s1 =	sshll.u32 s1, $0x11  }
0xc9: {  	s0 =	sor.u32 s1, s0  }
0xca: {  	s0 =	sadd.s32 $0x8F2B, s0  }
0xcb: {  	[sflag:s0] =	ssyncadd.remote.s32 $0x1  }
0xcc: {  	_ =	sfence.sel $0xFFFF  }
0xcd: {  	[dreg:$0x0] =	wrdreg $0xFFFFFFFF;
	(pc) =	sbr.abs _section_cstart, $3  }
0xce: {  	[dreg:$0x1] =	wrdreg $0xFFFFFFFF  }
0xcf: {  	_ =	task.clear_ibuf [dreg:s22], $0x2FFFF;
	_ =	strace $0x9FFFFFFF  }
0xd0: {  	(tm) =	ssettm $0x7FFFFFFF  }
0xd1: {  	_ =	shalt  }
tec
execute0_lowered:
.L_overlay_start_1:
0x0: {  	(tag) =	ssettag $0x1  }
0x1: {  	s4 =	rddreg [dreg:$0x0]  }
0x2: {  	s0 =	rddreg [dreg:$0x1];
	s2 =	simm.s32 $0x0  }
0x3: {  	s3 =	srdreg.scid;
	s1 =	stileid.u32;
	s10 =	simm.s32 $0x0  }
0x4: {  	[smem:$0x7FF] =	sst s2;
	s5 =	sand.u32 $0x1, s3;
	s6 =	sshll.u32 s1, $0x1  }
0x5: {  	s3 =	sadd.s32 $0x4400, s4;
	s30 =	sshll.u32 s1, $0xC;
	_ =	strace $0x8000004A  }
0x6: {  	s6 =	sor.u32 s5, s6;
	s7 =	ssub.s32 $0x2, s5;
	s31 =	sshll.u32 s5, $0xB  }
0x7: {  	s8 =	sshll.u32 s6, $0x8;
	s6 =	sshll.u32 s6, $0xC;
	s9 =	sshrl.u32 s7, $0x1  }
0x8: {  	s8 =	sadd.s32 s8, s4;
	s6 =	sadd.s32 s6, s4;
	s7 =	ssub.s32 s7, s9  }
0x9: {  	v0 =	vlaneseq.u32;
	s9 =	simm.s32 $0x4800;
	s4 =	sadd.s32 $0x24C00, s8;
	s5 =	sadd.s32 $0x26C00, s6  }
0xa: {  	v1 =	vimm.f32 $0.0e+00;
	v0 =	vmul.u32 $0x10, v0;
	s6 =	smax.u32 s7, $0x1;
	s7 =	sor.u32 s31, s30;
	s8 =	simm.s32 $0x1  }
.LBB2_1:
0xb: {  	[tilespmem:s2], [sflag:$0x1] =	stream.linear.gather [hbm4b:s3+s2], $0x4000, $0x38;
	[tilespmem:$0xC800] =	vst v63  }
0xc: {  	_ =	swait.ge [sflag:s8], $0x4000  }
0xd: {  	[sflag:s8] =	ssyncset.done $0x0  }
0xe: {  	s11 =	simm.s32 $0x4000;
	[sflag:s8] =	ssyncadd.s32 $0xFFFFC000  }
0xf: {  	[tilespmem:s11], [sflag:$0x1] =	stream.linear.gather [hbm4b:s4+s2], $0x800, $0x38;
	[tilespmem:$0xC800] =	vst v63  }
0x10: {  	_ =	swait.ge [sflag:s8], $0x800  }
0x11: {  	[sflag:s8] =	ssyncset.done $0x0  }
0x12: {  	s12 =	sadd.s32 $0x0, s7;
	[sflag:s8] =	ssyncadd.s32 $0xFFFFF800  }
0x13: {  	s12 =	sshrl.u32 s12, $0x5;
	v2 =	vld [tilespmem:s11+$0x0]  }
0x14: {  	s12 =	sor.u32 $0x800, s12  }
0x15: {  	v3 =	vmov s12;
	_ =	sdelay $0x4  }
0x16: {  	v4 =	vld.idx.msk [tilespmem:v3+s2+$0x0], $0xffff  }
0x17: {  	v5 =	vmov s2;
	v6 =	vld.idx.msk [tilespmem:v2+s2+$0x0], $0xffff  }
0x18: {  	v5 =	vshll.u32 v5, $0x4  }
0x19: {  	v7 =	vor.u32 v0, v5  }
0x1a: {  	v3 =	vand.u32 $0x3FFFFFF, v3;
	v5 =	vadd.s32 $0x1000, v2  }
0x1b: {  	v8 =	vadd.s32 $0x1000, v3  }
0x1c: {  	v4 =	vsub.f32 v4, v6;
	_ =	sdelay $0x1  }
0x1d: {  	[tilespmem:v7+s9+$0x0] =	vst.idx.msk $0xffff, v4  }
0x1e: {  	v5 =	vld.idx.msk [tilespmem:v5+s2+$0x0], $0xffff  }
0x1f: {  	v6 =	vld.idx.msk [tilespmem:v8+s2+$0x0], $0xffff;
	_ =	sdelay $0x1  }
0x20: {  	v8 =	vor.u32 $0x1, v7  }
0x21: {  	v9 =	vadd.s32 $0x2000, v2  }
0x22: {  	v10 =	vadd.s32 $0x2000, v3  }
0x23: {  	v5 =	vsub.f32 v6, v5;
	_ =	sdelay $0x1  }
0x24: {  	[tilespmem:v8+s9+$0x0] =	vst.idx.msk $0xffff, v5  }
0x25: {  	v6 =	vld.idx.msk [tilespmem:v9+s2+$0x0], $0xffff  }
0x26: {  	v8 =	vld.idx.msk [tilespmem:v10+s2+$0x0], $0xffff;
	_ =	sdelay $0x1  }
0x27: {  	v9 =	vor.u32 $0x2, v7  }
0x28: {  	v10 =	vadd.s32 $0x3000, v2  }
0x29: {  	v11 =	vadd.s32 $0x3000, v3  }
0x2a: {  	v3 =	vsub.f32 v8, v6  }
0x2b: {  	v4 =	vmul.f32 v4, v4;
	v5 =	vmul.f32 v5, v5  }
0x2c: {  	[tilespmem:v9+s9+$0x0] =	vst.idx.msk $0xffff, v3  }
0x2d: {  	v4 =	vadd.f32 v5, v4;
	v5 =	vld.idx.msk [tilespmem:v10+s2+$0x0], $0xffff  }
0x2e: {  	v8 =	vld.idx.msk [tilespmem:v11+s2+$0x0], $0xffff  }
0x2f: {  	vm0 =	veq.s32 v2, s12  }
0x30: {  	v2 =	vor.u32 $0x3, v7;
	vm1 =	vlt.f32 v4, $1.000000000e+00;
	v4 =	vor.u32 $0x5, v7  }
0x31: {  	s12 =	simm.s32 $0x10;
	v6 =	vsel vm1, $0x3F800000, v1;
	v3 =	vor.u32 $0x4, v7;
	v7 =	vsel vm0, $0x3F800000, v1  }
.LBB2_2:
0x32: {  	p0 =	sne.s32 s12, $0x7F0  }
0x33: {  	v5 =	vsub.f32 v8, v5;
	s11 =	sadd.s32 $0x10, s11;
	s13 =	smov.u32 s12;
	s12 =	sadd.s32 $0x10, s12  }
0x34: {  	_ = 	snop  }
0x35: {  	[tilespmem:v2+s9+$0x0] =	vst.idx.msk $0xffff, v5  }
0x36: {  	[tilespmem:v3+s9+$0x0] =	vst.idx.msk $0xffff, v7  }
0x37: {  	s14 =	sadd.s32 s13, s7;
	[tilespmem:v4+s9+$0x0] =	vst.idx.msk $0xffff, v6  }
0x38: {  	s14 =	sshrl.u32 s14, $0x5;
	v2 =	vld [tilespmem:s11+$0x0]  }
0x39: {  	s14 =	sor.u32 $0x800, s14  }
0x3a: {  	v3 =	vmov s14;
	_ =	sdelay $0x2  }
0x3b: {  	vm0 =	veq.s32 v2, s14;
	_ =	sdelay $0x1  }
0x3c: {  	v4 =	vld.idx.msk [tilespmem:v3+s2+$0x0], $0xffff  }
0x3d: {  	v5 =	vmov s13;
	v6 =	vld.idx.msk [tilespmem:v2+s2+$0x0], $0xffff  }
0x3e: {  	v5 =	vshll.u32 v5, $0x4  }
0x3f: {  	v7 =	vor.u32 v0, v5  }
0x40: {  	v3 =	vand.u32 $0x3FFFFFF, v3  }
0x41: {  	v5 =	vadd.s32 $0x1000, v2;
	v8 =	vadd.s32 $0x1000, v3;
	_ =	sdelay $0x1  }
0x42: {  	v4 =	vsub.f32 v4, v6;
	_ =	sdelay $0x1  }
0x43: {  	[tilespmem:v7+s9+$0x0] =	vst.idx.msk $0xffff, v4  }
0x44: {  	v5 =	vld.idx.msk [tilespmem:v5+s2+$0x0], $0xffff  }
0x45: {  	v6 =	vld.idx.msk [tilespmem:v8+s2+$0x0], $0xffff  }
0x46: {  	v8 =	vor.u32 $0x1, v7;
	_ =	sdelay $0x2  }
0x47: {  	v9 =	vadd.s32 $0x2000, v2;
	v10 =	vadd.s32 $0x2000, v3;
	_ =	sdelay $0x1  }
0x48: {  	v5 =	vsub.f32 v6, v5;
	_ =	sdelay $0x1  }
0x49: {  	v4 =	vmul.f32 v4, v4;
	[tilespmem:v8+s9+$0x0] =	vst.idx.msk $0xffff, v5;
	v5 =	vmul.f32 v5, v5  }
0x4a: {  	v6 =	vld.idx.msk [tilespmem:v9+s2+$0x0], $0xffff  }
0x4b: {  	v9 =	vor.u32 $0x2, v7;
	v8 =	vld.idx.msk [tilespmem:v10+s2+$0x0], $0xffff;
	v4 =	vadd.f32 v5, v4;
	_ =	sdelay $0x1  }
0x4c: {  	vm1 =	vlt.f32 v4, $1.000000000e+00;
	_ =	sdelay $0x1  }
0x4d: {  	v2 =	vadd.s32 $0x3000, v2;
	v3 =	vadd.s32 $0x3000, v3;
	_ =	sdelay $0x1  }
0x4e: {  	v4 =	vsub.f32 v8, v6;
	_ =	sdelay $0x1  }
0x4f: {  	[tilespmem:v9+s9+$0x0] =	vst.idx.msk $0xffff, v4  }
0x50: {  	v5 =	vld.idx.msk [tilespmem:v2+s2+$0x0], $0xffff;
	v2 =	vor.u32 $0x3, v7  }
0x51: {  	v8 =	vld.idx.msk [tilespmem:v3+s2+$0x0], $0xffff;
	v3 =	vor.u32 $0x4, v7  }
.Ltmp0:
0x52: {  	v4 =	vor.u32 $0x5, v7;
	(pc) =	sbr.rel @p0 .LBB2_2-.Ltmp0, $3  }
0x53: {  	_ =	sdelay $0x1  }
0x54: {  	v7 =	vsel vm0, $0x3F800000, v1  }
0x55: {  	v6 =	vsel vm1, $0x3F800000, v1  }
0x56: {  	_ =	sdelay $0x1  }
0x57: {  	v5 =	vsub.f32 v8, v5;
	_ =	sdelay $0x1  }
0x58: {  	s10 =	sadd.s32 $0x1, s10;
	[tilespmem:v2+s9+$0x0] =	vst.idx.msk $0xffff, v5  }
0x59: {  	p0 =	sne.s32 s10, s6;
	[tilespmem:v3+s9+$0x0] =	vst.idx.msk $0xffff, v7  }
.Ltmp1:
0x5a: {  	[tilespmem:v4+s9+$0x0] =	vst.idx.msk $0xffff, v6;
	(pc) =	sbr.rel @p0 .LBB2_1-.Ltmp1, $4  }
0x5b: {  	[hbm4b:s5+s2] =	stream.linear.scatter [tilespmem:s9], [sflag:$0x1], $0x8000, $0x38;
	[tilespmem:$0xC800] =	vst v63  }
0x5c: {  	_ =	swait.ge [sflag:s8], $0x8000  }
0x5d: {  	[sflag:s8] =	ssyncset.done $0x0  }
0x5e: {  	[sflag:s8] =	ssyncadd.s32 $0xFFFF8000  }
0x5f: {  	_ =	sfence.sel $0x180000  }
0x60: {  	[bflag:$0x0] =	sbarrier.arrive $0xFFFF  }
0x61: {  	p0 =	sne.s32 s1, $0x0;
	_ =	strace $0x9000004A  }
0x62: {  	s0 =	sadd.s32 @!p0 $0x100000, s0;
	[bflag:$0x2] =	sbarrier.arrive $0xFFFF  }
0x63: {  	[sflag:s0] =	ssyncadd.tile.s32 @!p0 $0x1;
	_ =	shalt  }
.Lfunc_end2:
_tile_overlayer_lowered:
.L_overlay_start_2:
0x64: {  	(tag) =	ssettag $0x2  }
0x65: {  	s0 =	rddreg [dreg:$0x0];
	s2 =	stileid.u32  }
0x66: {  	s1 =	rddreg [dreg:$0x1];
	p0 =	sne.s32 s2, $0x0  }
0x67: {  	s3 =	rddreg [dreg:$0x2];
	[bflag:$0x3] =	sbarrier.arrive $0xFFFF;
	s2 =	simm.s32 @!p0 $0x1C01  }
0x68: {  	[timem:s3], [sflag:s2] =	dma.local @!p0 [hbm:s0], s1  }
0x69: {  	s0 =	simm.s32 @!p0 $0x1  }
0x6a: {  	_ =	swait.ge @!p0 [sflag:s0], s1  }
0x6b: {  	s1 =	ssub.s32 @!p0 $0x0, s1;
	[sflag:s0] =	ssyncset.done @!p0 $0x0  }
0x6c: {  	[sflag:s0] =	ssyncadd.s32 @!p0 s1  }
0x6d: {  	[bflag:$0x3] =	sbarrier.arrive $0xFFFF  }
0x6e: {  	_ =	shalt  }

// kernel: kernel.8.cloned.1.call-start
scs
__scs_entry_jumppad:
0x0: {  	(pc) =	sbr.rel $0x88, $3  }
0x1: {  	(tag) =	ssettag $0x0;
	lr =	simm.s32 $0x1  }
0x2: {  	[smem:$0x3F93] =	sst lr;
	_ =	strace $0xD0000000  }
0x3: {  	_ = 	snop  }
0x4: {  	_ = 	snop  }
0x5: {  	_ = 	snop  }
0x6: {  	_ = 	snop  }
0x7: {  	_ = 	snop  }
__scs_overlays_trampoline_lowered:
0x8: {  	[smem:$0x3FA2] =	sst s0  }
0x9: {  	[smem:$0x3FA3] =	sst s1  }
0xa: {  	[smem:$0x3FA4] =	sst s2  }
0xb: {  	[smem:$0x3FA5] =	sst s3  }
0xc: {  	[smem:$0x3FA6] =	sst s4  }
0xd: {  	[smem:$0x3FA7] =	sst s5  }
0xe: {  	[smem:$0x3FA8] =	sst s6  }
0xf: {  	[smem:$0x3FA9] =	sst s7  }
0x10: {  	[smem:$0x3FAA] =	sst s8  }
0x11: {  	[smem:$0x3FAB] =	sst s9;
	s0 =	simm.s32 @!p0 $0x0  }
0x12: {  	s1 =	sld [smem:$0x3F91];
	s0 =	simm.s32 @p0 $0x1  }
0x13: {  	[smem:$0x3FAC] =	sst s0;
	s0 =	simm.s32 @!p1 $0x0  }
0x14: {  	s2 =	sld [smem:$0x3F90];
	s0 =	simm.s32 @p1 $0x1  }
0x15: {  	[smem:$0x3FAD] =	sst s0;
	s0 =	simm.s32 @!p2 $0x0  }
0x16: {  	s3 =	sld [smem:$0x3FDB];
	s0 =	simm.s32 @p2 $0x1  }
0x17: {  	s4 =	simm.s32 $0x1BF5;
	[smem:$0x3FAF] =	sst s0  }
0x18: {  	s0 =	sld [smem:$0x3F92];
	_ =	swait.ge [sflag:s4], $0x0  }
0x19: {  	s7 =	sld [smem:$0x3F93]  }
0x1a: {  	s8 =	sadd.s32 $0xFFFFE003, lr  }
0x1b: {  	s9 =	sadd.s32 $0xFFFFFEF7, lr;
	s5 =	simm.s32 $0xFFFFFFFF;
	p2 =	slt.u32 s8, $0xFFFFF086  }
0x1c: {  	p1 =	slt.u32 s9, $0xF7A;
	s5 =	simm.s32 @!p2 $0x0  }
0x1d: {  	s5 =	simm.s32 @p1 $0x1;
	p0 =	seq.s32 s7, s2  }
0x1e: {  	s7 =	smul.u32 @!p0 $0xF7A, s2;
	p2 =	seq.s32 @!p0 s5, $0x0  }
0x1f: {  	s9 =	smul.u32 $0xF7A, s1;
	s8 =	simm.s32 @!p0 $0x1BF5;
	p2 =	por !p2, p0  }
0x20: {  	[sflag:s8] =	ssyncset.s32 @!p0 $0xFFFFF086;
	s6 =	sadd.s32 @!p0 s3, s7;
	s7 =	simm.s32 @!p0 $0x108  }
0x21: {  	s3 =	sadd.s32 s3, s9;
	s6 =	sadd.s32 @!p0 $0x88, s6;
	s7 =	simm.s32 @p2 $0x1082  }
0x22: {  	[simem:s7], [sflag:s8] =	dma.local @!p0 [hbm:s6], $0xF7A  }
0x23: {  	s9 =	sor.u32 $0xD0000000, s2;
	s6 =	simm.s32 $0x108;
	_ =	swait.ge @!p0 [sflag:s8], $0x0  }
0x24: {  	s3 =	sadd.s32 $0x88, s3;
	s6 =	simm.s32 @!p1 $0x1082;
	[sflag:s4] =	ssyncset.s32 $0xFFFFF086  }
0x25: {  	[simem:s6], [sflag:s4] =	dma.local [hbm:s3], $0xF7A  }
0x26: {  	[smem:$0x3F93] =	sst s1;
	(tag) =	ssettag s2;
	_ =	strace s9  }
0x27: {  	s1 =	sld [smem:$0x3FA3]  }
0x28: {  	s2 =	sld [smem:$0x3FA4]  }
0x29: {  	s4 =	sld [smem:$0x3FA6]  }
0x2a: {  	p0 =	seq.s32 s5, $0x0;
	s5 =	sld [smem:$0x3FA7]  }
0x2b: {  	s6 =	sld [smem:$0x3FA8]  }
0x2c: {  	s7 =	sld [smem:$0x3FA9]  }
0x2d: {  	s3 =	simm.s32 $0x108;
	s8 =	sld [smem:$0x3FAA]  }
0x2e: {  	s3 =	simm.s32 @!p0 $0x1082;
	s9 =	sld [smem:$0x3FAB]  }
0x2f: {  	lr =	sadd.s32 s0, s3;
	s0 =	sld [smem:$0x3FA2]  }
0x30: {  	s3 =	sld [smem:$0x3FA5]  }
0x31: {  	[smem:$0x3FAE] =	sst s10  }
0x32: {  	s10 =	sld [smem:$0x3FAC];
	_ =	sdelay $0x3  }
0x33: {  	p0 =	seq.s32 s10, $0x1;
	s10 =	sld [smem:$0x3FAE];
	_ =	sdelay $0x3  }
0x34: {  	[smem:$0x3FAE] =	sst s10  }
0x35: {  	s10 =	sld [smem:$0x3FAD];
	_ =	sdelay $0x3  }
0x36: {  	p1 =	seq.s32 s10, $0x1;
	s10 =	sld [smem:$0x3FAE];
	_ =	sdelay $0x3  }
0x37: {  	[smem:$0x3FAE] =	sst s10  }
0x38: {  	s10 =	sld [smem:$0x3FAF]  }
0x39: {  	_ = 	snop;
	(pc) =	sbr.ind lr, $3  }
0x3a: {  	_ = 	snop  }
0x3b: {  	_ = 	snop  }
0x3c: {  	p2 =	seq.s32 s10, $0x1;
	s10 =	sld [smem:$0x3FAE]  }
0x3d: {  	_ =	shalt  }
0x3e: {  	_ =	shalt  }
0x3f: {  	_ =	shalt  }
0x40: {  	_ =	shalt  }
0x41: {  	_ =	shalt  }
0x42: {  	_ =	shalt  }
0x43: {  	_ =	shalt  }
0x44: {  	_ =	shalt  }
0x45: {  	_ =	shalt  }
0x46: {  	_ =	shalt  }
0x47: {  	_ =	shalt  }
0x48: {  	_ =	shalt  }
0x49: {  	_ =	shalt  }
0x4a: {  	_ =	shalt  }
0x4b: {  	_ =	shalt  }
0x4c: {  	_ =	shalt  }
0x4d: {  	_ =	shalt  }
0x4e: {  	_ =	shalt  }
0x4f: {  	_ =	shalt  }
0x50: {  	_ =	shalt  }
0x51: {  	_ =	shalt  }
0x52: {  	_ =	shalt  }
0x53: {  	_ =	shalt  }
0x54: {  	_ =	shalt  }
0x55: {  	_ =	shalt  }
0x56: {  	_ =	shalt  }
0x57: {  	_ =	shalt  }
0x58: {  	_ =	shalt  }
0x59: {  	_ =	shalt  }
0x5a: {  	_ =	shalt  }
0x5b: {  	_ =	shalt  }
0x5c: {  	_ =	shalt  }
0x5d: {  	_ =	shalt  }
0x5e: {  	_ =	shalt  }
0x5f: {  	_ =	shalt  }
0x60: {  	_ =	shalt  }
0x61: {  	_ =	shalt  }
0x62: {  	_ =	shalt  }
0x63: {  	_ =	shalt  }
0x64: {  	_ =	shalt  }
0x65: {  	_ =	shalt  }
0x66: {  	_ =	shalt  }
0x67: {  	_ =	shalt  }
0x68: {  	_ =	shalt  }
0x69: {  	_ =	shalt  }
0x6a: {  	_ =	shalt  }
0x6b: {  	_ =	shalt  }
0x6c: {  	_ =	shalt  }
0x6d: {  	_ =	shalt  }
0x6e: {  	_ =	shalt  }
0x6f: {  	_ =	shalt  }
0x70: {  	_ =	shalt  }
0x71: {  	_ =	shalt  }
0x72: {  	_ =	shalt  }
0x73: {  	_ =	shalt  }
0x74: {  	_ =	shalt  }
0x75: {  	_ =	shalt  }
0x76: {  	_ =	shalt  }
0x77: {  	_ =	shalt  }
0x78: {  	_ =	shalt  }
0x79: {  	_ =	shalt  }
0x7a: {  	_ =	shalt  }
0x7b: {  	_ =	shalt  }
0x7c: {  	_ =	shalt  }
0x7d: {  	_ =	shalt  }
0x7e: {  	_ =	shalt  }
0x7f: {  	_ =	shalt  }
0x80: {  	_ =	shalt  }
0x81: {  	_ =	shalt  }
0x82: {  	_ =	shalt  }
0x83: {  	_ =	shalt  }
0x84: {  	_ =	shalt  }
0x85: {  	_ =	shalt  }
0x86: {  	_ =	shalt  }
0x87: {  	_ =	shalt  }
.Lfunc_end0:
.L_simem_size_0:
called_computation_lowered:
.L_overlay_start_0:
0x88: {  	s2 =	sld [smem:$0x3FD9]  }
0x89: {  	s3 =	sld [smem:$0x3FFE];
	_ =	sdelay $0x1  }
0x8a: {  	s1 =	srdreg.scid  }
0x8b: {  	s0 =	sand.u32 $0x1, s1  }
0x8c: {  	s16 =	sshll.u32 s0, $0xA;
	s2 =	sadd.s32 s3, s2  }
0x8d: {  	s2 =	sadd.s32 s2, s16  }
0x8e: {  	[smem:$0x3FBA] =	sst s2  }
0x8f: {  	_ = 	snop  }
0x90: {  	(tm) =	ssettm $0x1  }
0x91: {  	s17 =	sld [smem:$0x3FFB];
	_ =	sdelay $0x3  }
0x92: {  	_ =	strace s17  }
0x93: {  	s2 =	sld [smem:$0x3FFC];
	_ =	sdelay $0x3  }
0x94: {  	_ =	strace s2  }
0x95: {  	s2 =	sld [smem:$0x3FFD];
	_ =	sdelay $0x3  }
0x96: {  	_ =	strace s2  }
0x97: {  	_ =	strace $0x8FFFFFFF  }
0x98: {  	s18 =	sld [smem:$0x3FDB];
	_ =	sdelay $0x1  }
0x99: {  	s19 =	simm.s32 $_scs_section_size  }
0x9a: {  	s4 =	simm.s32 $_size__tile_overlayer_lowered;
	s5 =	simm.s32 $_tile_overlayer_lowered  }
0x9b: {  	s22 =	simm.s32 $0x1BFF;
	s21 =	sshll.u32 s5, $0x1;
	s2 =	sadd.s32 s19, s18  }
0x9c: {  	s6 =	simm.s32 $0x0;
	s20 =	sshll.u32 s4, $0x1;
	s4 =	sadd.s32 s21, s2  }
0x9d: {  	[timem:s6], [sflag:s22] =	dma.local [hbm:s4], s20  }
0x9e: {  	_ =	swait.ge [sflag:s22], s20  }
0x9f: {  	s3 =	ssub.s32 $0x0, s20;
	[sflag:s22] =	ssyncset.done $0x0  }
0xa0: {  	[sflag:s22] =	ssyncadd.s32 s3;
	_ =	sdelay $0x1  }
0xa1: {  	s23 =	simm.s32 $0x1B8B  }
0xa2: {  	_ =	swait.ge [sflag:s23], $0x1  }
0xa3: {  	[sflag:s23] =	ssyncset.done $0x0  }
0xa4: {  	s25 =	simm.s32 $0x1B8E;
	s24 =	sld [smem:$0x3FFE];
	[sflag:s23] =	ssyncadd.s32 $0xFFFFFFFF  }
0xa5: {  	s26 =	simm.s32 $execute0_lowered;
	[smem:$0x3FD2] =	sst s25  }
0xa6: {  	s4 =	sshll.u32 s26, $0x1;
	_ =	strace $0x80000046;
	[dreg:$0x1] =	wrdreg $0xFFFFFFFF  }
0xa7: {  	s28 =	simm.s32 $_size_execute0_lowered;
	s2 =	sadd.s32 s2, s4;
	[dreg:$0x0] =	wrdreg $0x0  }
0xa8: {  	s4 =	sshll.u32 s28, $0x1;
	[dreg:$0x2] =	wrdreg s2  }
0xa9: {  	[dreg:$0x3] =	wrdreg s4  }
0xaa: {  	[dreg:$0x4] =	wrdreg $0xC0  }
0xab: {  	_ =	task [dreg:s6], $0x5FFFF  }
0xac: {  	[dreg:$0x1] =	wrdreg $0xFFFFFFFF  }
0xad: {  	[dreg:$0x0] =	wrdreg $0x60  }
0xae: {  	[dreg:$0x2] =	wrdreg s24  }
0xaf: {  	[dreg:$0x3] =	wrdreg $0x9  }
0xb0: {  	_ =	task.clear_ibuf [dreg:s6], $0x4FFFF;
	_ =	strace $0x90000046  }
0xb1: {  	s29 =	simm.s32 $0x9;
	_ =	strace $0x80000048  }
0xb2: {  	_ =	swait.ge [sflag:s29], $0x1  }
0xb3: {  	[sflag:s29] =	ssyncadd.s32 $0xFFFFFFFF  }
0xb4: {  	_ =	strace $0x90000048  }
0xb5: {  	_ =	sfence  }
0xb6: {  	s30 =	sld [smem:$0x0];
	_ =	sdelay $0x2  }
0xb7: {  	s31 =	sshll.u32 s1, $0xD;
	s1 =	sshrl.u32 s1, $0x2  }
0xb8: {  	s3 =	sand.u32 $0x4000, s31;
	s1 =	sadd.s32 s1, s30  }
0xb9: {  	s0 =	sor.u32 s3, s0;
	s1 =	sshll.u32 s1, $0x11  }
0xba: {  	s0 =	sor.u32 s1, s0  }
0xbb: {  	s0 =	sadd.s32 $0x8F2B, s0  }
0xbc: {  	[sflag:s0] =	ssyncadd.remote.s32 $0x1  }
0xbd: {  	_ =	sfence.sel $0xFFFF  }
0xbe: {  	[dreg:$0x0] =	wrdreg $0xFFFFFFFF;
	(pc) =	sbr.abs _section_cstart, $3  }
0xbf: {  	[dreg:$0x1] =	wrdreg $0xFFFFFFFF  }
0xc0: {  	_ =	task.clear_ibuf [dreg:s6], $0x2FFFF;
	_ =	strace $0x9FFFFFFF  }
0xc1: {  	(tm) =	ssettm $0x7FFFFFFF  }
tec
execute0_lowered:
.L_overlay_start_1:
0x0: {  	(tag) =	ssettag $0x1  }
0x1: {  	s4 =	rddreg [dreg:$0x0]  }
0x2: {  	s0 =	rddreg [dreg:$0x1];
	s2 =	simm.s32 $0x0  }
0x3: {  	s3 =	srdreg.scid;
	s1 =	stileid.u32;
	s10 =	simm.s32 $0x0  }
0x4: {  	[smem:$0x7FF] =	sst s2;
	s5 =	sand.u32 $0x1, s3;
	s6 =	sshll.u32 s1, $0x1  }
0x5: {  	s3 =	sadd.s32 $0x4400, s4;
	s30 =	sshll.u32 s1, $0xC;
	_ =	strace $0x80000047  }
0x6: {  	s6 =	sor.u32 s5, s6;
	s7 =	ssub.s32 $0x2, s5;
	s31 =	sshll.u32 s5, $0xB  }
0x7: {  	s8 =	sshll.u32 s6, $0x8;
	s6 =	sshll.u32 s6, $0xC;
	s9 =	sshrl.u32 s7, $0x1  }
0x8: {  	s8 =	sadd.s32 s8, s4;
	s6 =	sadd.s32 s6, s4;
	s7 =	ssub.s32 s7, s9  }
0x9: {  	v0 =	vlaneseq.u32;
	s9 =	simm.s32 $0x4800;
	s4 =	sadd.s32 $0x2400, s8;
	s5 =	sadd.s32 $0x4C00, s6  }
0xa: {  	v1 =	vimm.f32 $0.0e+00;
	v0 =	vmul.u32 $0x10, v0;
	s6 =	smax.u32 s7, $0x1;
	s7 =	sor.u32 s31, s30;
	s8 =	simm.s32 $0x1  }
.LBB2_1:
0xb: {  	[tilespmem:s2], [sflag:$0x1] =	stream.linear.gather [hbm4b:s3+s2], $0x4000, $0x38;
	[tilespmem:$0xC800] =	vst v63  }
0xc: {  	_ =	swait.ge [sflag:s8], $0x4000  }
0xd: {  	[sflag:s8] =	ssyncset.done $0x0  }
0xe: {  	s11 =	simm.s32 $0x4000;
	[sflag:s8] =	ssyncadd.s32 $0xFFFFC000  }
0xf: {  	[tilespmem:s11], [sflag:$0x1] =	stream.linear.gather [hbm4b:s4+s2], $0x800, $0x38;
	[tilespmem:$0xC800] =	vst v63  }
0x10: {  	_ =	swait.ge [sflag:s8], $0x800  }
0x11: {  	[sflag:s8] =	ssyncset.done $0x0  }
0x12: {  	[sflag:s8] =	ssyncadd.s32 $0xFFFFF800  }
0x13: {  	s12 =	sadd.s32 $0x0, s7;
	v2 =	vld [tilespmem:s11+$0x0]  }
0x14: {  	s12 =	sshrl.u32 s12, $0x5  }
0x15: {  	v3 =	vmov s12;
	_ =	sdelay $0x4  }
0x16: {  	v4 =	vld.idx.msk [tilespmem:v3+s2+$0x0], $0xffff  }
0x17: {  	v6 =	vmov s2;
	v5 =	vld.idx.msk [tilespmem:v2+s2+$0x0], $0xffff  }
0x18: {  	v6 =	vshll.u32 v6, $0x4  }
0x19: {  	v7 =	vor.u32 v0, v6  }
0x1a: {  	v3 =	vand.u32 $0x3FFFFFF, v3;
	v6 =	vadd.s32 $0x1000, v2  }
0x1b: {  	v8 =	vadd.s32 $0x1000, v3  }
0x1c: {  	v4 =	vsub.f32 v4, v5;
	_ =	sdelay $0x1  }
0x1d: {  	[tilespmem:v7+s9+$0x0] =	vst.idx.msk $0xffff, v4  }
0x1e: {  	v5 =	vld.idx.msk [tilespmem:v6+s2+$0x0], $0xffff  }
0x1f: {  	v6 =	vld.idx.msk [tilespmem:v8+s2+$0x0], $0xffff;
	_ =	sdelay $0x1  }
0x20: {  	v8 =	vor.u32 $0x1, v7  }
0x21: {  	v9 =	vadd.s32 $0x2000, v2  }
0x22: {  	v10 =	vadd.s32 $0x2000, v3  }
0x23: {  	v5 =	vsub.f32 v6, v5;
	_ =	sdelay $0x1  }
0x24: {  	[tilespmem:v8+s9+$0x0] =	vst.idx.msk $0xffff, v5  }
0x25: {  	v6 =	vld.idx.msk [tilespmem:v9+s2+$0x0], $0xffff  }
0x26: {  	v8 =	vld.idx.msk [tilespmem:v10+s2+$0x0], $0xffff;
	_ =	sdelay $0x1  }
0x27: {  	v62 =	vor.u32 $0x2, v7  }
0x28: {  	v63 =	vadd.s32 $0x3000, v2  }
0x29: {  	v3 =	vadd.s32 $0x3000, v3  }
0x2a: {  	v6 =	vsub.f32 v8, v6  }
0x2b: {  	v4 =	vmul.f32 v4, v4;
	v5 =	vmul.f32 v5, v5  }
0x2c: {  	[tilespmem:v62+s9+$0x0] =	vst.idx.msk $0xffff, v6  }
0x2d: {  	v4 =	vadd.f32 v5, v4;
	v5 =	vld.idx.msk [tilespmem:v63+s2+$0x0], $0xffff  }
0x2e: {  	v6 =	vld.idx.msk [tilespmem:v3+s2+$0x0], $0xffff;
	_ =	sdelay $0x1  }
0x2f: {  	vm1 =	vlt.f32 v4, $1.000000000e+00;
	v4 =	vor.u32 $0x3, v7  }
0x30: {  	vm0 =	veq.s32 v2, s12;
	s12 =	simm.s32 $0x10;
	v2 =	vor.u32 $0x4, v7;
	v3 =	vor.u32 $0x5, v7  }
.LBB2_2:
0x31: {  	p0 =	sne.s32 s12, $0x7F0  }
0x32: {  	v5 =	vsub.f32 v6, v5;
	s11 =	sadd.s32 $0x10, s11;
	s13 =	smov.u32 s12;
	s12 =	sadd.s32 $0x10, s12  }
0x33: {  	v6 =	vsel vm0, $0x3F800000, v1  }
0x34: {  	[tilespmem:v4+s9+$0x0] =	vst.idx.msk $0xffff, v5;
	v4 =	vsel vm1, $0x3F800000, v1  }
0x35: {  	[tilespmem:v2+s9+$0x0] =	vst.idx.msk $0xffff, v6  }
0x36: {  	[tilespmem:v3+s9+$0x0] =	vst.idx.msk $0xffff, v4  }
0x37: {  	s14 =	sadd.s32 s13, s7;
	v2 =	vld [tilespmem:s11+$0x0]  }
0x38: {  	s14 =	sshrl.u32 s14, $0x5  }
0x39: {  	v3 =	vmov s14  }
0x3a: {  	v4 =	vand.u32 $0x3FFFFFF, v3;
	_ =	sdelay $0x1  }
0x3b: {  	vm0 =	veq.s32 v2, s14;
	_ =	sdelay $0x1  }
0x3c: {  	v3 =	vld.idx.msk [tilespmem:v3+s2+$0x0], $0xffff  }
0x3d: {  	v5 =	vld.idx.msk [tilespmem:v2+s2+$0x0], $0xffff  }
0x3e: {  	v6 =	vmov s13  }
0x3f: {  	v6 =	vshll.u32 v6, $0x4  }
0x40: {  	v7 =	vor.u32 v0, v6  }
0x41: {  	v6 =	vadd.s32 $0x1000, v2  }
0x42: {  	v8 =	vadd.s32 $0x1000, v4  }
0x43: {  	v3 =	vsub.f32 v3, v5;
	_ =	sdelay $0x1  }
0x44: {  	[tilespmem:v7+s9+$0x0] =	vst.idx.msk $0xffff, v3  }
0x45: {  	v5 =	vld.idx.msk [tilespmem:v6+s2+$0x0], $0xffff  }
0x46: {  	v6 =	vld.idx.msk [tilespmem:v8+s2+$0x0], $0xffff;
	_ =	sdelay $0x2  }
0x47: {  	v8 =	vor.u32 $0x1, v7  }
0x48: {  	v9 =	vadd.s32 $0x2000, v2  }
0x49: {  	v10 =	vadd.s32 $0x2000, v4  }
0x4a: {  	v5 =	vsub.f32 v6, v5;
	_ =	sdelay $0x1  }
0x4b: {  	v3 =	vmul.f32 v3, v3;
	[tilespmem:v8+s9+$0x0] =	vst.idx.msk $0xffff, v5;
	v5 =	vmul.f32 v5, v5  }
0x4c: {  	v6 =	vld.idx.msk [tilespmem:v9+s2+$0x0], $0xffff  }
0x4d: {  	v8 =	vld.idx.msk [tilespmem:v10+s2+$0x0], $0xffff;
	v3 =	vadd.f32 v5, v3;
	_ =	sdelay $0x1  }
0x4e: {  	vm1 =	vlt.f32 v3, $1.000000000e+00  }
0x4f: {  	v3 =	vor.u32 $0x2, v7  }
0x50: {  	v4 =	vadd.s32 $0x3000, v4;
	v2 =	vadd.s32 $0x3000, v2;
	_ =	sdelay $0x1  }
0x51: {  	v5 =	vsub.f32 v8, v6;
	_ =	sdelay $0x1  }
0x52: {  	[tilespmem:v3+s9+$0x0] =	vst.idx.msk $0xffff, v5  }
0x53: {  	v5 =	vld.idx.msk [tilespmem:v2+s2+$0x0], $0xffff  }
.Ltmp0:
0x54: {  	v6 =	vld.idx.msk [tilespmem:v4+s2+$0x0], $0xffff;
	(pc) =	sbr.rel @p0 .LBB2_2-.Ltmp0, $4  }
0x55: {  	_ = 	snop  }
0x56: {  	v4 =	vor.u32 $0x3, v7  }
0x57: {  	v2 =	vor.u32 $0x4, v7  }
0x58: {  	v3 =	vor.u32 $0x5, v7  }
0x59: {  	_ =	sdelay $0x1  }
0x5a: {  	v5 =	vsub.f32 v6, v5;
	_ =	sdelay $0x1  }
0x5b: {  	v62 =	vsel vm0, $0x3F800000, v1;
	s10 =	sadd.s32 $0x1, s10;
	[tilespmem:v4+s9+$0x0] =	vst.idx.msk $0xffff, v5  }
0x5c: {  	v63 =	vsel vm1, $0x3F800000, v1;
	p0 =	sne.s32 s10, s6;
	[tilespmem:v2+s9+$0x0] =	vst.idx.msk $0xffff, v62  }
.Ltmp1:
0x5d: {  	[tilespmem:v3+s9+$0x0] =	vst.idx.msk $0xffff, v63;
	(pc) =	sbr.rel @p0 .LBB2_1-.Ltmp1, $4  }
0x5e: {  	[hbm4b:s5+s2] =	stream.linear.scatter [tilespmem:s9], [sflag:$0x1], $0x8000, $0x38;
	[tilespmem:$0xC800] =	vst v63  }
0x5f: {  	_ =	swait.ge [sflag:s8], $0x8000  }
0x60: {  	[sflag:s8] =	ssyncset.done $0x0  }
0x61: {  	[sflag:s8] =	ssyncadd.s32 $0xFFFF8000  }
0x62: {  	_ =	sfence.sel $0x180000  }
0x63: {  	[bflag:$0x0] =	sbarrier.arrive $0xFFFF  }
0x64: {  	p0 =	sne.s32 s1, $0x0;
	_ =	strace $0x90000047  }
0x65: {  	s0 =	sadd.s32 @!p0 $0x100000, s0;
	[bflag:$0x2] =	sbarrier.arrive $0xFFFF  }
0x66: {  	[sflag:s0] =	ssyncadd.tile.s32 @!p0 $0x1;
	_ =	shalt  }
.Lfunc_end2:
_tile_overlayer_lowered:
.L_overlay_start_2:
0x67: {  	(tag) =	ssettag $0x2  }
0x68: {  	s0 =	rddreg [dreg:$0x0];
	s2 =	stileid.u32  }
0x69: {  	s1 =	rddreg [dreg:$0x1];
	p0 =	sne.s32 s2, $0x0  }
0x6a: {  	s3 =	rddreg [dreg:$0x2];
	[bflag:$0x3] =	sbarrier.arrive $0xFFFF;
	s2 =	simm.s32 @!p0 $0x1C01  }
0x6b: {  	[timem:s3], [sflag:s2] =	dma.local @!p0 [hbm:s0], s1  }
0x6c: {  	s0 =	simm.s32 @!p0 $0x1  }
0x6d: {  	_ =	swait.ge @!p0 [sflag:s0], s1  }
0x6e: {  	s1 =	ssub.s32 @!p0 $0x0, s1;
	[sflag:s0] =	ssyncset.done @!p0 $0x0  }
0x6f: {  	[sflag:s0] =	ssyncadd.s32 @!p0 s1  }
0x70: {  	[bflag:$0x3] =	sbarrier.arrive $0xFFFF  }
0x71: {  	_ =	shalt  }

</sc_bundles>
